<compile_context>
chip_gen: v7x
topology: tpu7x:2x2x1
jax: 0.10.2.dev20260603
libtpu: 0.0.44.dev20260713+nightly
codegen_flags: <defaults>
</compile_context>

<pallas_src>
import functools

import jax
import jax.numpy as jnp
from jax import lax
from jax.experimental import pallas as pl
from jax.experimental.pallas import tpu as pltpu
from jax.experimental.pallas import tpu_sc as plsc

N = 10000
E = 320000
H = 128
FIN = 512
NUM_EDGE_TYPES = 100

NC = 2
NS = 16
W = 128
NWIN = 79
E_PAD = NC * NS * W * NWIN
ACC_ROWS = NS * 640

_mesh = plsc.VectorSubcoreMesh(core_axis_name="c", subcore_axis_name="s")


def _sc_aggr_body(x_hbm, src_hbm, dst_hbm, attr_hbm, emb_hbm, out_hbm,
                  sidx, aidx, didx, rows, ea, emb_sh, acc, sem, sem2):
    c = lax.axis_index("c")
    s = lax.axis_index("s")

    if True:
        @pl.when(s == 0)
        def _():
            pltpu.sync_copy(emb_hbm, rows.at[pl.ds(0, NUM_EDGE_TYPES)])
            pltpu.sync_copy(rows.at[pl.ds(0, NUM_EDGE_TYPES)], emb_sh)

        @pl.loop(0, W)
        def _(i):
            for k in range(H // 16):
                rows[i, pl.ds(k * 16, 16)] = jnp.zeros((16,), jnp.float32)

        for j in range(640 // W):
            pltpu.sync_copy(rows, acc.at[pl.ds(s * 640 + j * W, W)])

        plsc.subcore_barrier()

        chunk_base = (c * NS + s) * (NWIN * W)

        @pl.loop(0, NWIN)
        def _(w):
            base = chunk_base + w * W
            pltpu.sync_copy(src_hbm.at[pl.ds(base, W)], sidx)
            pltpu.sync_copy(attr_hbm.at[pl.ds(base, W)], aidx)
            blk = (c * NS + s) * NWIN + w
            pltpu.sync_copy(dst_hbm.at[pl.ds(blk, 1)], didx)
            cp1 = pltpu.async_copy(x_hbm.at[sidx], rows, sem)
            cp2 = pltpu.async_copy(emb_sh.at[aidx], ea, sem2)
            cp1.wait()
            cp2.wait()

            @pl.loop(0, W)
            def _(i):
                for k in range(H // 16):
                    sl = pl.ds(k * 16, 16)
                    rows[i, sl] = jnp.maximum(rows[i, sl] + ea[i, sl], 0.0)

            pltpu.sync_copy(rows, acc.at[didx.at[0]], add=True)

        plsc.subcore_barrier()

        for j in range(640 // W):
            r0 = s * 640 + j * W
            pltpu.sync_copy(acc.at[pl.ds(r0, W)], rows)
            pltpu.sync_copy(rows, out_hbm.at[c, pl.ds(r0, W)])


def _sc_aggr(x, src_pad, dst2d, attr_pad, emb):
    kern = pl.kernel(
        _sc_aggr_body,
        out_type=jax.ShapeDtypeStruct((NC, ACC_ROWS, H), jnp.float32),
        mesh=_mesh,
        scratch_types=[
            pltpu.VMEM((W,), jnp.int32),
            pltpu.VMEM((W,), jnp.int32),
            pltpu.VMEM((1, W), jnp.int32),
            pltpu.VMEM((W, H), jnp.float32),
            pltpu.VMEM((W, H), jnp.float32),
            pltpu.VMEM_SHARED((NUM_EDGE_TYPES, H), jnp.float32),
            pltpu.VMEM_SHARED((ACC_ROWS, H), jnp.float32),
            pltpu.SemaphoreType.DMA,
            pltpu.SemaphoreType.DMA,
        ],
    )
    return kern(x, src_pad, dst2d, attr_pad, emb)


def _proj_body(pf_ref, w_ref, b_ref, o_ref):
    o_ref[...] = (
        jnp.dot(pf_ref[...], w_ref[...], preferred_element_type=jnp.float32)
        + b_ref[...]
    )


def _proj(pf, w, b):
    br = 1000
    return pl.pallas_call(
        _proj_body,
        grid=(N // br,),
        in_specs=[
            pl.BlockSpec((br, FIN), lambda i: (i, 0)),
            pl.BlockSpec((FIN, H), lambda i: (0, 0)),
            pl.BlockSpec((1, H), lambda i: (0, 0)),
        ],
        out_specs=pl.BlockSpec((br, H), lambda i: (i, 0)),
        out_shape=jax.ShapeDtypeStruct((N, H), jnp.float32),
    )(pf, w, b.reshape(1, H))


def _mlp_body(x_ref, a0_ref, a1_ref, w1_ref, b1_ref, w2_ref, b2_ref, o_ref):
    h = x_ref[...] + a0_ref[0] + a1_ref[0]
    t = jnp.maximum(
        jnp.dot(h, w1_ref[...], preferred_element_type=jnp.float32)
        + b1_ref[...],
        0.0,
    )
    o_ref[...] = (
        jnp.dot(t, w2_ref[...], preferred_element_type=jnp.float32)
        + b2_ref[...]
        + x_ref[...]
    )


def _mlp(x, aggr, w1, b1, w2, b2):
    br = 1000
    return pl.pallas_call(
        _mlp_body,
        grid=(N // br,),
        in_specs=[
            pl.BlockSpec((br, H), lambda i: (i, 0)),
            pl.BlockSpec((1, br, H), lambda i: (0, i, 0)),
            pl.BlockSpec((1, br, H), lambda i: (1, i, 0)),
            pl.BlockSpec((H, H), lambda i: (0, 0)),
            pl.BlockSpec((1, H), lambda i: (0, 0)),
            pl.BlockSpec((H, H), lambda i: (0, 0)),
            pl.BlockSpec((1, H), lambda i: (0, 0)),
        ],
        out_specs=pl.BlockSpec((br, H), lambda i: (i, 0)),
        out_shape=jax.ShapeDtypeStruct((N, H), jnp.float32),
    )(x, aggr, aggr, w1, b1.reshape(1, H), w2, b2.reshape(1, H))


@functools.partial(jax.jit, static_argnums=())
def kernel(peptide_feature, edge_index, edge_attr, proj_W, proj_b, edge_emb,
           cls_token, cls_edge, c0_W1, c0_b1, c0_W2, c0_b2,
           c1_W1, c1_b1, c1_W2, c1_b2):
    del cls_token, cls_edge

    pad = E_PAD - E
    ar = jnp.arange(pad, dtype=jnp.int32)
    src_pad = jnp.concatenate([edge_index[0], ar % N])
    dst_pad = jnp.concatenate([edge_index[1], N + ar % (ACC_ROWS - N)])
    attr_pad = jnp.concatenate([edge_attr, ar % NUM_EDGE_TYPES])
    dst2d = dst_pad.reshape(E_PAD // W, W)

    x = _proj(peptide_feature, proj_W, proj_b)

    a = _sc_aggr(x, src_pad, dst2d, attr_pad, edge_emb)
    x = _mlp(x, a, c0_W1, c0_b1, c0_W2, c0_b2)

    a = _sc_aggr(x, src_pad, dst2d, attr_pad, edge_emb)
    x = _mlp(x, a, c1_W1, c1_b1, c1_W2, c1_b2)

    return x

# --- scband reference (transcript-rebuilt; emitter-appended) ---
"""Pipeline reference for scband-residue-graph-model-56453050138688 (READ-ONLY COPY).

The authoritative reference and input builder live on the scoring server;
editing this copy changes nothing except your own understanding.
"""

import jax, jax.numpy as jnp
import numpy as np

N = 10000
E = 320000
H = 128
FIN = 512
NUM_EDGE_TYPES = 100


def setup_inputs(seed: int = 0) -> dict:
    key = jax.random.key(seed)
    ks = jax.random.split(key, 20)
    s = 0.05
    inp = {
        "peptide_feature": jax.random.normal(ks[0], (N, FIN), dtype=jnp.float32),
        "edge_index": jax.random.randint(ks[1], (2, E), 0, N, dtype=jnp.int32),
        "edge_attr": jax.random.randint(ks[2], (E,), 0, NUM_EDGE_TYPES, dtype=jnp.int32),
        # learned parameters
        "proj_W": jax.random.normal(ks[3], (FIN, H), dtype=jnp.float32) * s,
        "proj_b": jnp.zeros((H,), dtype=jnp.float32),
        "edge_emb": jax.random.normal(ks[4], (NUM_EDGE_TYPES, H), dtype=jnp.float32) * s,
        "cls_token": jax.random.normal(ks[5], (1, H), dtype=jnp.float32) * s,
        "cls_edge": jax.random.normal(ks[6], (1, H), dtype=jnp.float32) * s,
        "c0_W1": jax.random.normal(ks[7], (H, H), dtype=jnp.float32) * s,
        "c0_b1": jnp.zeros((H,), dtype=jnp.float32),
        "c0_W2": jax.random.normal(ks[8], (H, H), dtype=jnp.float32) * s,
        "c0_b2": jnp.zeros((H,), dtype=jnp.float32),
        "c1_W1": jax.random.normal(ks[9], (H, H), dtype=jnp.float32) * s,
        "c1_b1": jnp.zeros((H,), dtype=jnp.float32),
        "c1_W2": jax.random.normal(ks[10], (H, H), dtype=jnp.float32) * s,
        "c1_b2": jnp.zeros((H,), dtype=jnp.float32),
    }
    return inp


def _gine_conv(x, src, dst, edge_attr, W1, b1, W2, b2):
    # PyG GINEConv with default eps=0: out = nn((1+eps)*x + sum_j relu(x_j + e_ij))
    m = jax.nn.relu(x[src] + edge_attr)
    aggr = jax.ops.segment_sum(m, dst, num_segments=x.shape[0])
    h = x + aggr
    h = jax.nn.relu(h @ W1 + b1) @ W2 + b2
    return h


def reference(peptide_feature, edge_index, edge_attr, proj_W, proj_b, edge_emb,
              cls_token, cls_edge, c0_W1, c0_b1, c0_W2, c0_b2,
              c1_W1, c1_b1, c1_W2, c1_b2):
    # aanet_proj
    x = peptide_feature @ proj_W + proj_b
    # edge_attr is 1-D -> edge_type_emb(edge_attr.long())
    ea = edge_emb[edge_attr]
    # append cls token node
    x = jnp.concatenate([x, cls_token], axis=0)  # [N+1, H]
    n = x.shape[0] - 1
    extra = jnp.stack([
        jnp.arange(n, dtype=edge_index.dtype),
        jnp.full((n,), n, dtype=edge_index.dtype),
    ], axis=0)
    ei = jnp.concatenate([edge_index, extra], axis=1)
    ea = jnp.concatenate([ea, jnp.broadcast_to(cls_edge, (n, ea.shape[-1]))], axis=0)
    src, dst = ei[0], ei[1]
    # two GINEConv layers with residual connections
    x = _gine_conv(x, src, dst, ea, c0_W1, c0_b1, c0_W2, c0_b2) + x
    x = _gine_conv(x, src, dst, ea, c1_W1, c1_b1, c1_W2, c1_b2) + x
    return x[:-1]

if __name__ == "__main__":
    import jax
    _d = setup_inputs()
    print(jax.jit(kernel)(*tuple(_d.values())))

</pallas_src>

<mosaic_0001>
#map = affine_map<(d0, d1) -> (0, 0)>
#map1 = affine_map<(d0, d1) -> (0)>
#map2 = affine_map<(d0, d1) -> (0, 0, 0)>
module attributes {stable_mosaic.version = 14 : i64} {
  func.func @_sc_aggr_body(%arg0: i32, %arg1: i32, %arg2: memref<10000x128xf32, #tpu.memory_space<hbm>>, %arg3: memref<323584xi32, #tpu.memory_space<hbm>>, %arg4: memref<2528x128xi32, #tpu.memory_space<hbm>>, %arg5: memref<323584xi32, #tpu.memory_space<hbm>>, %arg6: memref<100x128xf32, #tpu.memory_space<hbm>>, %arg7: memref<2x10240x128xf32, #tpu.memory_space<hbm>>, %arg8: memref<128xi32, #tpu.memory_space<vmem>>, %arg9: memref<128xi32, #tpu.memory_space<vmem>>, %arg10: memref<1x128xi32, #tpu.memory_space<vmem>>, %arg11: memref<128x128xf32, #tpu.memory_space<vmem>>, %arg12: memref<128x128xf32, #tpu.memory_space<vmem>>, %arg13: memref<100x128xf32, #tpu.memory_space<vmem_shared>>, %arg14: memref<10240x128xf32, #tpu.memory_space<vmem_shared>>, %arg15: memref<!tpu.dma_semaphore, #tpu.memory_space<semaphore_mem>>, %arg16: memref<!tpu.dma_semaphore, #tpu.memory_space<semaphore_mem>>) attributes {dimension_semantics = [#tpu.dimension_semantics<core_parallel>, #tpu.dimension_semantics<subcore_parallel>], iteration_bounds = array<i64: 2, 16>, scalar_prefetch = 0 : i64, scratch_operands = 9 : i64, tpu.core_type = #tpu.core_type<sc_vector_subcore>, window_params = [{transform_indices = #map}, {transform_indices = #map1}, {transform_indices = #map}, {transform_indices = #map1}, {transform_indices = #map}, {transform_indices = #map2}]} {
    %eq3A = arith.constant 0 : i32
    %eq3A_0 = arith.cmpi eq, %arg1, %eq3A : i32
    %convert_element_type3A = arith.extui %eq3A_0 : i1 to i32
    %cond3A = arith.constant 0 : i32
    %cond3A_1 = arith.cmpi ne, %convert_element_type3A, %cond3A : i32
    scf.if %cond3A_1 {
      "tpu.region"() ({
        %run_scoped3A = tpu.sem_alloc : memref<!tpu.dma_semaphore, #tpu.memory_space<semaphore_mem>>
        %dma_start3A = arith.constant 0 : i32
        %dma_start3A_55 = arith.constant 0 : i32
        %dma_start3A_56 = tpu.memref_slice %arg11[%dma_start3A, %dma_start3A_55] : memref<128x128xf32, #tpu.memory_space<vmem>> -> memref<100x128xf32, #tpu.memory_space<vmem>>
        %dma_start3A_57 = arith.constant 0 : i32
        %dma_start3A_58 = arith.constant 0 : i32
        %dma_start3A_59 = tpu.memref_slice %arg11[%dma_start3A_57, %dma_start3A_58] : memref<128x128xf32, #tpu.memory_space<vmem>> -> memref<100x128xf32, #tpu.memory_space<vmem>>
        tpu.enqueue_dma source(%arg6 : memref<100x128xf32, #tpu.memory_space<hbm>>) target(%dma_start3A_59 : memref<100x128xf32, #tpu.memory_space<vmem>>) target_semaphore(%run_scoped3A : memref<!tpu.dma_semaphore, #tpu.memory_space<semaphore_mem>>)
        %dma_wait3A = arith.constant 0 : i32
        %dma_wait3A_60 = arith.constant 0 : i32
        %dma_wait3A_61 = tpu.memref_slice %arg11[%dma_wait3A, %dma_wait3A_60] : memref<128x128xf32, #tpu.memory_space<vmem>> -> memref<100x128xf32, #tpu.memory_space<vmem>>
        %dma_wait3A_62 = arith.constant 0 : i32
        %dma_wait3A_63 = arith.constant 0 : i32
        %dma_wait3A_64 = tpu.memref_slice %arg11[%dma_wait3A_62, %dma_wait3A_63] : memref<128x128xf32, #tpu.memory_space<vmem>> -> memref<100x128xf32, #tpu.memory_space<vmem>>
        tpu.wait_dma2 semaphore(%run_scoped3A : memref<!tpu.dma_semaphore, #tpu.memory_space<semaphore_mem>>) src(%arg6 : memref<100x128xf32, #tpu.memory_space<hbm>>) dst(%dma_wait3A_64 : memref<100x128xf32, #tpu.memory_space<vmem>>)
        tpu.yield
      }) : () -> ()
      "tpu.region"() ({
        %run_scoped3A = tpu.sem_alloc : memref<!tpu.dma_semaphore, #tpu.memory_space<semaphore_mem>>
        %dma_start3A = arith.constant 0 : i32
        %dma_start3A_55 = arith.constant 0 : i32
        %dma_start3A_56 = tpu.memref_slice %arg11[%dma_start3A, %dma_start3A_55] : memref<128x128xf32, #tpu.memory_space<vmem>> -> memref<100x128xf32, #tpu.memory_space<vmem>>
        %dma_start3A_57 = arith.constant 0 : i32
        %dma_start3A_58 = arith.constant 0 : i32
        %dma_start3A_59 = tpu.memref_slice %arg11[%dma_start3A_57, %dma_start3A_58] : memref<128x128xf32, #tpu.memory_space<vmem>> -> memref<100x128xf32, #tpu.memory_space<vmem>>
        tpu.enqueue_dma source(%dma_start3A_59 : memref<100x128xf32, #tpu.memory_space<vmem>>) target(%arg13 : memref<100x128xf32, #tpu.memory_space<vmem_shared>>) target_semaphore(%run_scoped3A : memref<!tpu.dma_semaphore, #tpu.memory_space<semaphore_mem>>)
        %dma_wait3A = arith.constant 0 : i32
        %dma_wait3A_60 = arith.constant 0 : i32
        %dma_wait3A_61 = tpu.memref_slice %arg11[%dma_wait3A, %dma_wait3A_60] : memref<128x128xf32, #tpu.memory_space<vmem>> -> memref<100x128xf32, #tpu.memory_space<vmem>>
        %dma_wait3A_62 = arith.constant 0 : i32
        %dma_wait3A_63 = arith.constant 0 : i32
        %dma_wait3A_64 = tpu.memref_slice %arg11[%dma_wait3A_62, %dma_wait3A_63] : memref<128x128xf32, #tpu.memory_space<vmem>> -> memref<100x128xf32, #tpu.memory_space<vmem>>
        tpu.wait_dma2 semaphore(%run_scoped3A : memref<!tpu.dma_semaphore, #tpu.memory_space<semaphore_mem>>) src(%dma_wait3A_64 : memref<100x128xf32, #tpu.memory_space<vmem>>) dst(%arg13 : memref<100x128xf32, #tpu.memory_space<vmem_shared>>)
        tpu.yield
      }) : () -> ()
    } else {
    }
    %scan3A = arith.constant 0 : i32
    %scan3A_2 = arith.constant 128 : i32
    %scan3A_3 = arith.addi %scan3A, %scan3A_2 : i32
    %scan3A_4 = arith.constant 1 : i32
    scf.for %scan3A_55 = %scan3A to %scan3A_3 step %scan3A_4  : i32 {
      %mul3A_56 = arith.constant 1 : i32
      %mul3A_57 = arith.muli %scan3A_55, %mul3A_56 : i32
      %add3A_58 = arith.constant 0 : i32
      %add3A_59 = arith.addi %add3A_58, %mul3A_57 : i32
      %broadcast_in_dim3A = arith.constant 0.000000e+00 : f32
      %broadcast_in_dim3A_60 = vector.broadcast %broadcast_in_dim3A : f32 to vector<16xf32>
      %swap3A = arith.index_cast %add3A_59 : i32 to index
      %swap3A_61 = arith.constant 0 : index
      %swap3A_62 = tpu.vector_load %arg11[%swap3A, %swap3A_61] {strides = array<i32>} : memref<128x128xf32, #tpu.memory_space<vmem>>, vector<1x16xf32>,
      %swap3A_63 = vector.shape_cast %swap3A_62 : vector<1x16xf32> to vector<16xf32>
      %swap3A_64 = vector.shape_cast %broadcast_in_dim3A_60 : vector<16xf32> to vector<1x16xf32>
      tpu.vector_store %arg11[%swap3A, %swap3A_61], %swap3A_64 {strides = array<i32>} : memref<128x128xf32, #tpu.memory_space<vmem>>, vector<1x16xf32>,
      %broadcast_in_dim3A_65 = arith.constant 0.000000e+00 : f32
      %broadcast_in_dim3A_66 = vector.broadcast %broadcast_in_dim3A_65 : f32 to vector<16xf32>
      %swap3A_67 = arith.index_cast %add3A_59 : i32 to index
      %swap3A_68 = arith.constant 16 : index
      %swap3A_69 = tpu.vector_load %arg11[%swap3A_67, %swap3A_68] {strides = array<i32>} : memref<128x128xf32, #tpu.memory_space<vmem>>, vector<1x16xf32>,
      %swap3A_70 = vector.shape_cast %swap3A_69 : vector<1x16xf32> to vector<16xf32>
      %swap3A_71 = vector.shape_cast %broadcast_in_dim3A_66 : vector<16xf32> to vector<1x16xf32>
      tpu.vector_store %arg11[%swap3A_67, %swap3A_68], %swap3A_71 {strides = array<i32>} : memref<128x128xf32, #tpu.memory_space<vmem>>, vector<1x16xf32>,
      %broadcast_in_dim3A_72 = arith.constant 0.000000e+00 : f32
      %broadcast_in_dim3A_73 = vector.broadcast %broadcast_in_dim3A_72 : f32 to vector<16xf32>
      %swap3A_74 = arith.index_cast %add3A_59 : i32 to index
      %swap3A_75 = arith.constant 32 : index
      %swap3A_76 = tpu.vector_load %arg11[%swap3A_74, %swap3A_75] {strides = array<i32>} : memref<128x128xf32, #tpu.memory_space<vmem>>, vector<1x16xf32>,
      %swap3A_77 = vector.shape_cast %swap3A_76 : vector<1x16xf32> to vector<16xf32>
      %swap3A_78 = vector.shape_cast %broadcast_in_dim3A_73 : vector<16xf32> to vector<1x16xf32>
      tpu.vector_store %arg11[%swap3A_74, %swap3A_75], %swap3A_78 {strides = array<i32>} : memref<128x128xf32, #tpu.memory_space<vmem>>, vector<1x16xf32>,
      %broadcast_in_dim3A_79 = arith.constant 0.000000e+00 : f32
      %broadcast_in_dim3A_80 = vector.broadcast %broadcast_in_dim3A_79 : f32 to vector<16xf32>
      %swap3A_81 = arith.index_cast %add3A_59 : i32 to index
      %swap3A_82 = arith.constant 48 : index
      %swap3A_83 = tpu.vector_load %arg11[%swap3A_81, %swap3A_82] {strides = array<i32>} : memref<128x128xf32, #tpu.memory_space<vmem>>, vector<1x16xf32>,
      %swap3A_84 = vector.shape_cast %swap3A_83 : vector<1x16xf32> to vector<16xf32>
      %swap3A_85 = vector.shape_cast %broadcast_in_dim3A_80 : vector<16xf32> to vector<1x16xf32>
      tpu.vector_store %arg11[%swap3A_81, %swap3A_82], %swap3A_85 {strides = array<i32>} : memref<128x128xf32, #tpu.memory_space<vmem>>, vector<1x16xf32>,
      %broadcast_in_dim3A_86 = arith.constant 0.000000e+00 : f32
      %broadcast_in_dim3A_87 = vector.broadcast %broadcast_in_dim3A_86 : f32 to vector<16xf32>
      %swap3A_88 = arith.index_cast %add3A_59 : i32 to index
      %swap3A_89 = arith.constant 64 : index
      %swap3A_90 = tpu.vector_load %arg11[%swap3A_88, %swap3A_89] {strides = array<i32>} : memref<128x128xf32, #tpu.memory_space<vmem>>, vector<1x16xf32>,
      %swap3A_91 = vector.shape_cast %swap3A_90 : vector<1x16xf32> to vector<16xf32>
      %swap3A_92 = vector.shape_cast %broadcast_in_dim3A_87 : vector<16xf32> to vector<1x16xf32>
      tpu.vector_store %arg11[%swap3A_88, %swap3A_89], %swap3A_92 {strides = array<i32>} : memref<128x128xf32, #tpu.memory_space<vmem>>, vector<1x16xf32>,
      %broadcast_in_dim3A_93 = arith.constant 0.000000e+00 : f32
      %broadcast_in_dim3A_94 = vector.broadcast %broadcast_in_dim3A_93 : f32 to vector<16xf32>
      %swap3A_95 = arith.index_cast %add3A_59 : i32 to index
      %swap3A_96 = arith.constant 80 : index
      %swap3A_97 = tpu.vector_load %arg11[%swap3A_95, %swap3A_96] {strides = array<i32>} : memref<128x128xf32, #tpu.memory_space<vmem>>, vector<1x16xf32>,
      %swap3A_98 = vector.shape_cast %swap3A_97 : vector<1x16xf32> to vector<16xf32>
      %swap3A_99 = vector.shape_cast %broadcast_in_dim3A_94 : vector<16xf32> to vector<1x16xf32>
      tpu.vector_store %arg11[%swap3A_95, %swap3A_96], %swap3A_99 {strides = array<i32>} : memref<128x128xf32, #tpu.memory_space<vmem>>, vector<1x16xf32>,
      %broadcast_in_dim3A_100 = arith.constant 0.000000e+00 : f32
      %broadcast_in_dim3A_101 = vector.broadcast %broadcast_in_dim3A_100 : f32 to vector<16xf32>
      %swap3A_102 = arith.index_cast %add3A_59 : i32 to index
      %swap3A_103 = arith.constant 96 : index
      %swap3A_104 = tpu.vector_load %arg11[%swap3A_102, %swap3A_103] {strides = array<i32>} : memref<128x128xf32, #tpu.memory_space<vmem>>, vector<1x16xf32>,
      %swap3A_105 = vector.shape_cast %swap3A_104 : vector<1x16xf32> to vector<16xf32>
      %swap3A_106 = vector.shape_cast %broadcast_in_dim3A_101 : vector<16xf32> to vector<1x16xf32>
      tpu.vector_store %arg11[%swap3A_102, %swap3A_103], %swap3A_106 {strides = array<i32>} : memref<128x128xf32, #tpu.memory_space<vmem>>, vector<1x16xf32>,
      %broadcast_in_dim3A_107 = arith.constant 0.000000e+00 : f32
      %broadcast_in_dim3A_108 = vector.broadcast %broadcast_in_dim3A_107 : f32 to vector<16xf32>
      %swap3A_109 = arith.index_cast %add3A_59 : i32 to index
      %swap3A_110 = arith.constant 112 : index
      %swap3A_111 = tpu.vector_load %arg11[%swap3A_109, %swap3A_110] {strides = array<i32>} : memref<128x128xf32, #tpu.memory_space<vmem>>, vector<1x16xf32>,
      %swap3A_112 = vector.shape_cast %swap3A_111 : vector<1x16xf32> to vector<16xf32>
      %swap3A_113 = vector.shape_cast %broadcast_in_dim3A_108 : vector<16xf32> to vector<1x16xf32>
      tpu.vector_store %arg11[%swap3A_109, %swap3A_110], %swap3A_113 {strides = array<i32>} : memref<128x128xf32, #tpu.memory_space<vmem>>, vector<1x16xf32>,
    }
    %scan3A_5 = arith.constant 128 : i32
    %mul3A = arith.constant 640 : i32
    %mul3A_6 = arith.muli %arg1, %mul3A : i32
    %add3A = arith.constant 0 : i32
    %add3A_7 = arith.addi %mul3A_6, %add3A : i32
    "tpu.region"() ({
      %run_scoped3A = tpu.sem_alloc : memref<!tpu.dma_semaphore, #tpu.memory_space<semaphore_mem>>
      %dma_start3A = arith.constant 0 : i32
      %dma_start3A_55 = tpu.memref_slice %arg14[%add3A_7, %dma_start3A] : memref<10240x128xf32, #tpu.memory_space<vmem_shared>> -> memref<128x128xf32, #tpu.memory_space<vmem_shared>>
      %dma_start3A_56 = arith.constant 0 : i32
      %dma_start3A_57 = tpu.memref_slice %arg14[%add3A_7, %dma_start3A_56] : memref<10240x128xf32, #tpu.memory_space<vmem_shared>> -> memref<128x128xf32, #tpu.memory_space<vmem_shared>>
      tpu.enqueue_dma source(%arg11 : memref<128x128xf32, #tpu.memory_space<vmem>>) target(%dma_start3A_57 : memref<128x128xf32, #tpu.memory_space<vmem_shared>>) target_semaphore(%run_scoped3A : memref<!tpu.dma_semaphore, #tpu.memory_space<semaphore_mem>>)
      %dma_wait3A = arith.constant 0 : i32
      %dma_wait3A_58 = tpu.memref_slice %arg14[%add3A_7, %dma_wait3A] : memref<10240x128xf32, #tpu.memory_space<vmem_shared>> -> memref<128x128xf32, #tpu.memory_space<vmem_shared>>
      %dma_wait3A_59 = arith.constant 0 : i32
      %dma_wait3A_60 = tpu.memref_slice %arg14[%add3A_7, %dma_wait3A_59] : memref<10240x128xf32, #tpu.memory_space<vmem_shared>> -> memref<128x128xf32, #tpu.memory_space<vmem_shared>>
      tpu.wait_dma2 semaphore(%run_scoped3A : memref<!tpu.dma_semaphore, #tpu.memory_space<semaphore_mem>>) src(%arg11 : memref<128x128xf32, #tpu.memory_space<vmem>>) dst(%dma_wait3A_60 : memref<128x128xf32, #tpu.memory_space<vmem_shared>>)
      tpu.yield
    }) : () -> ()
    %mul3A_8 = arith.constant 640 : i32
    %mul3A_9 = arith.muli %arg1, %mul3A_8 : i32
    %add3A_10 = arith.constant 128 : i32
    %add3A_11 = arith.addi %mul3A_9, %add3A_10 : i32
    "tpu.region"() ({
      %run_scoped3A = tpu.sem_alloc : memref<!tpu.dma_semaphore, #tpu.memory_space<semaphore_mem>>
      %dma_start3A = arith.constant 0 : i32
      %dma_start3A_55 = tpu.memref_slice %arg14[%add3A_11, %dma_start3A] : memref<10240x128xf32, #tpu.memory_space<vmem_shared>> -> memref<128x128xf32, #tpu.memory_space<vmem_shared>>
      %dma_start3A_56 = arith.constant 0 : i32
      %dma_start3A_57 = tpu.memref_slice %arg14[%add3A_11, %dma_start3A_56] : memref<10240x128xf32, #tpu.memory_space<vmem_shared>> -> memref<128x128xf32, #tpu.memory_space<vmem_shared>>
      tpu.enqueue_dma source(%arg11 : memref<128x128xf32, #tpu.memory_space<vmem>>) target(%dma_start3A_57 : memref<128x128xf32, #tpu.memory_space<vmem_shared>>) target_semaphore(%run_scoped3A : memref<!tpu.dma_semaphore, #tpu.memory_space<semaphore_mem>>)
      %dma_wait3A = arith.constant 0 : i32
      %dma_wait3A_58 = tpu.memref_slice %arg14[%add3A_11, %dma_wait3A] : memref<10240x128xf32, #tpu.memory_space<vmem_shared>> -> memref<128x128xf32, #tpu.memory_space<vmem_shared>>
      %dma_wait3A_59 = arith.constant 0 : i32
      %dma_wait3A_60 = tpu.memref_slice %arg14[%add3A_11, %dma_wait3A_59] : memref<10240x128xf32, #tpu.memory_space<vmem_shared>> -> memref<128x128xf32, #tpu.memory_space<vmem_shared>>
      tpu.wait_dma2 semaphore(%run_scoped3A : memref<!tpu.dma_semaphore, #tpu.memory_space<semaphore_mem>>) src(%arg11 : memref<128x128xf32, #tpu.memory_space<vmem>>) dst(%dma_wait3A_60 : memref<128x128xf32, #tpu.memory_space<vmem_shared>>)
      tpu.yield
    }) : () -> ()
    %mul3A_12 = arith.constant 640 : i32
    %mul3A_13 = arith.muli %arg1, %mul3A_12 : i32
    %add3A_14 = arith.constant 256 : i32
    %add3A_15 = arith.addi %mul3A_13, %add3A_14 : i32
    "tpu.region"() ({
      %run_scoped3A = tpu.sem_alloc : memref<!tpu.dma_semaphore, #tpu.memory_space<semaphore_mem>>
      %dma_start3A = arith.constant 0 : i32
      %dma_start3A_55 = tpu.memref_slice %arg14[%add3A_15, %dma_start3A] : memref<10240x128xf32, #tpu.memory_space<vmem_shared>> -> memref<128x128xf32, #tpu.memory_space<vmem_shared>>
      %dma_start3A_56 = arith.constant 0 : i32
      %dma_start3A_57 = tpu.memref_slice %arg14[%add3A_15, %dma_start3A_56] : memref<10240x128xf32, #tpu.memory_space<vmem_shared>> -> memref<128x128xf32, #tpu.memory_space<vmem_shared>>
      tpu.enqueue_dma source(%arg11 : memref<128x128xf32, #tpu.memory_space<vmem>>) target(%dma_start3A_57 : memref<128x128xf32, #tpu.memory_space<vmem_shared>>) target_semaphore(%run_scoped3A : memref<!tpu.dma_semaphore, #tpu.memory_space<semaphore_mem>>)
      %dma_wait3A = arith.constant 0 : i32
      %dma_wait3A_58 = tpu.memref_slice %arg14[%add3A_15, %dma_wait3A] : memref<10240x128xf32, #tpu.memory_space<vmem_shared>> -> memref<128x128xf32, #tpu.memory_space<vmem_shared>>
      %dma_wait3A_59 = arith.constant 0 : i32
      %dma_wait3A_60 = tpu.memref_slice %arg14[%add3A_15, %dma_wait3A_59] : memref<10240x128xf32, #tpu.memory_space<vmem_shared>> -> memref<128x128xf32, #tpu.memory_space<vmem_shared>>
      tpu.wait_dma2 semaphore(%run_scoped3A : memref<!tpu.dma_semaphore, #tpu.memory_space<semaphore_mem>>) src(%arg11 : memref<128x128xf32, #tpu.memory_space<vmem>>) dst(%dma_wait3A_60 : memref<128x128xf32, #tpu.memory_space<vmem_shared>>)
      tpu.yield
    }) : () -> ()
    %mul3A_16 = arith.constant 640 : i32
    %mul3A_17 = arith.muli %arg1, %mul3A_16 : i32
    %add3A_18 = arith.constant 384 : i32
    %add3A_19 = arith.addi %mul3A_17, %add3A_18 : i32
    "tpu.region"() ({
      %run_scoped3A = tpu.sem_alloc : memref<!tpu.dma_semaphore, #tpu.memory_space<semaphore_mem>>
      %dma_start3A = arith.constant 0 : i32
      %dma_start3A_55 = tpu.memref_slice %arg14[%add3A_19, %dma_start3A] : memref<10240x128xf32, #tpu.memory_space<vmem_shared>> -> memref<128x128xf32, #tpu.memory_space<vmem_shared>>
      %dma_start3A_56 = arith.constant 0 : i32
      %dma_start3A_57 = tpu.memref_slice %arg14[%add3A_19, %dma_start3A_56] : memref<10240x128xf32, #tpu.memory_space<vmem_shared>> -> memref<128x128xf32, #tpu.memory_space<vmem_shared>>
      tpu.enqueue_dma source(%arg11 : memref<128x128xf32, #tpu.memory_space<vmem>>) target(%dma_start3A_57 : memref<128x128xf32, #tpu.memory_space<vmem_shared>>) target_semaphore(%run_scoped3A : memref<!tpu.dma_semaphore, #tpu.memory_space<semaphore_mem>>)
      %dma_wait3A = arith.constant 0 : i32
      %dma_wait3A_58 = tpu.memref_slice %arg14[%add3A_19, %dma_wait3A] : memref<10240x128xf32, #tpu.memory_space<vmem_shared>> -> memref<128x128xf32, #tpu.memory_space<vmem_shared>>
      %dma_wait3A_59 = arith.constant 0 : i32
      %dma_wait3A_60 = tpu.memref_slice %arg14[%add3A_19, %dma_wait3A_59] : memref<10240x128xf32, #tpu.memory_space<vmem_shared>> -> memref<128x128xf32, #tpu.memory_space<vmem_shared>>
      tpu.wait_dma2 semaphore(%run_scoped3A : memref<!tpu.dma_semaphore, #tpu.memory_space<semaphore_mem>>) src(%arg11 : memref<128x128xf32, #tpu.memory_space<vmem>>) dst(%dma_wait3A_60 : memref<128x128xf32, #tpu.memory_space<vmem_shared>>)
      tpu.yield
    }) : () -> ()
    %mul3A_20 = arith.constant 640 : i32
    %mul3A_21 = arith.muli %arg1, %mul3A_20 : i32
    %add3A_22 = arith.constant 512 : i32
    %add3A_23 = arith.addi %mul3A_21, %add3A_22 : i32
    "tpu.region"() ({
      %run_scoped3A = tpu.sem_alloc : memref<!tpu.dma_semaphore, #tpu.memory_space<semaphore_mem>>
      %dma_start3A = arith.constant 0 : i32
      %dma_start3A_55 = tpu.memref_slice %arg14[%add3A_23, %dma_start3A] : memref<10240x128xf32, #tpu.memory_space<vmem_shared>> -> memref<128x128xf32, #tpu.memory_space<vmem_shared>>
      %dma_start3A_56 = arith.constant 0 : i32
      %dma_start3A_57 = tpu.memref_slice %arg14[%add3A_23, %dma_start3A_56] : memref<10240x128xf32, #tpu.memory_space<vmem_shared>> -> memref<128x128xf32, #tpu.memory_space<vmem_shared>>
      tpu.enqueue_dma source(%arg11 : memref<128x128xf32, #tpu.memory_space<vmem>>) target(%dma_start3A_57 : memref<128x128xf32, #tpu.memory_space<vmem_shared>>) target_semaphore(%run_scoped3A : memref<!tpu.dma_semaphore, #tpu.memory_space<semaphore_mem>>)
      %dma_wait3A = arith.constant 0 : i32
      %dma_wait3A_58 = tpu.memref_slice %arg14[%add3A_23, %dma_wait3A] : memref<10240x128xf32, #tpu.memory_space<vmem_shared>> -> memref<128x128xf32, #tpu.memory_space<vmem_shared>>
      %dma_wait3A_59 = arith.constant 0 : i32
      %dma_wait3A_60 = tpu.memref_slice %arg14[%add3A_23, %dma_wait3A_59] : memref<10240x128xf32, #tpu.memory_space<vmem_shared>> -> memref<128x128xf32, #tpu.memory_space<vmem_shared>>
      tpu.wait_dma2 semaphore(%run_scoped3A : memref<!tpu.dma_semaphore, #tpu.memory_space<semaphore_mem>>) src(%arg11 : memref<128x128xf32, #tpu.memory_space<vmem>>) dst(%dma_wait3A_60 : memref<128x128xf32, #tpu.memory_space<vmem_shared>>)
      tpu.yield
    }) : () -> ()
    %barrier3A = arith.constant 0 : index
    tpu.barrier barrier_id(%barrier3A)
    %mul3A_24 = arith.constant 16 : i32
    %mul3A_25 = arith.muli %arg0, %mul3A_24 : i32
    %add3A_26 = arith.addi %mul3A_25, %arg1 : i32
    %mul3A_27 = arith.constant 10112 : i32
    %mul3A_28 = arith.muli %add3A_26, %mul3A_27 : i32
    %scan3A_29 = arith.constant 0 : i32
    %scan3A_30 = arith.constant 79 : i32
    %scan3A_31 = arith.addi %scan3A_29, %scan3A_30 : i32
    %scan3A_32 = arith.constant 1 : i32
    scf.for %scan3A_55 = %scan3A_29 to %scan3A_31 step %scan3A_32  : i32 {
      %mul3A_56 = arith.constant 1 : i32
      %mul3A_57 = arith.muli %scan3A_55, %mul3A_56 : i32
      %add3A_58 = arith.constant 0 : i32
      %add3A_59 = arith.addi %add3A_58, %mul3A_57 : i32
      %mul3A_60 = arith.constant 128 : i32
      %mul3A_61 = arith.muli %add3A_59, %mul3A_60 : i32
      %add3A_62 = arith.addi %mul3A_28, %mul3A_61 : i32
      "tpu.region"() ({
        %run_scoped3A_84 = tpu.sem_alloc : memref<!tpu.dma_semaphore, #tpu.memory_space<semaphore_mem>>
        %dma_start3A_85 = tpu.memref_slice %arg3[%add3A_62] : memref<323584xi32, #tpu.memory_space<hbm>> -> memref<128xi32, #tpu.memory_space<hbm>>
        %dma_start3A_86 = tpu.memref_slice %arg3[%add3A_62] : memref<323584xi32, #tpu.memory_space<hbm>> -> memref<128xi32, #tpu.memory_space<hbm>>
        tpu.enqueue_dma source(%dma_start3A_86 : memref<128xi32, #tpu.memory_space<hbm>>) target(%arg8 : memref<128xi32, #tpu.memory_space<vmem>>) target_semaphore(%run_scoped3A_84 : memref<!tpu.dma_semaphore, #tpu.memory_space<semaphore_mem>>)
        %dma_wait3A_87 = tpu.memref_slice %arg3[%add3A_62] : memref<323584xi32, #tpu.memory_space<hbm>> -> memref<128xi32, #tpu.memory_space<hbm>>
        %dma_wait3A_88 = tpu.memref_slice %arg3[%add3A_62] : memref<323584xi32, #tpu.memory_space<hbm>> -> memref<128xi32, #tpu.memory_space<hbm>>
        tpu.wait_dma2 semaphore(%run_scoped3A_84 : memref<!tpu.dma_semaphore, #tpu.memory_space<semaphore_mem>>) src(%dma_wait3A_88 : memref<128xi32, #tpu.memory_space<hbm>>) dst(%arg8 : memref<128xi32, #tpu.memory_space<vmem>>)
        tpu.yield
      }) : () -> ()
      "tpu.region"() ({
        %run_scoped3A_84 = tpu.sem_alloc : memref<!tpu.dma_semaphore, #tpu.memory_space<semaphore_mem>>
        %dma_start3A_85 = tpu.memref_slice %arg5[%add3A_62] : memref<323584xi32, #tpu.memory_space<hbm>> -> memref<128xi32, #tpu.memory_space<hbm>>
        %dma_start3A_86 = tpu.memref_slice %arg5[%add3A_62] : memref<323584xi32, #tpu.memory_space<hbm>> -> memref<128xi32, #tpu.memory_space<hbm>>
        tpu.enqueue_dma source(%dma_start3A_86 : memref<128xi32, #tpu.memory_space<hbm>>) target(%arg9 : memref<128xi32, #tpu.memory_space<vmem>>) target_semaphore(%run_scoped3A_84 : memref<!tpu.dma_semaphore, #tpu.memory_space<semaphore_mem>>)
        %dma_wait3A_87 = tpu.memref_slice %arg5[%add3A_62] : memref<323584xi32, #tpu.memory_space<hbm>> -> memref<128xi32, #tpu.memory_space<hbm>>
        %dma_wait3A_88 = tpu.memref_slice %arg5[%add3A_62] : memref<323584xi32, #tpu.memory_space<hbm>> -> memref<128xi32, #tpu.memory_space<hbm>>
        tpu.wait_dma2 semaphore(%run_scoped3A_84 : memref<!tpu.dma_semaphore, #tpu.memory_space<semaphore_mem>>) src(%dma_wait3A_88 : memref<128xi32, #tpu.memory_space<hbm>>) dst(%arg9 : memref<128xi32, #tpu.memory_space<vmem>>)
        tpu.yield
      }) : () -> ()
      %mul3A_63 = arith.constant 16 : i32
      %mul3A_64 = arith.muli %arg0, %mul3A_63 : i32
      %add3A_65 = arith.addi %mul3A_64, %arg1 : i32
      %mul3A_66 = arith.constant 79 : i32
      %mul3A_67 = arith.muli %add3A_65, %mul3A_66 : i32
      %add3A_68 = arith.addi %mul3A_67, %add3A_59 : i32
      "tpu.region"() ({
        %run_scoped3A_84 = tpu.sem_alloc : memref<!tpu.dma_semaphore, #tpu.memory_space<semaphore_mem>>
        %dma_start3A_85 = arith.constant 0 : i32
        %dma_start3A_86 = tpu.memref_slice %arg4[%add3A_68, %dma_start3A_85] : memref<2528x128xi32, #tpu.memory_space<hbm>> -> memref<1x128xi32, #tpu.memory_space<hbm>>
        %dma_start3A_87 = arith.constant 0 : i32
        %dma_start3A_88 = tpu.memref_slice %arg4[%add3A_68, %dma_start3A_87] : memref<2528x128xi32, #tpu.memory_space<hbm>> -> memref<1x128xi32, #tpu.memory_space<hbm>>
        tpu.enqueue_dma source(%dma_start3A_88 : memref<1x128xi32, #tpu.memory_space<hbm>>) target(%arg10 : memref<1x128xi32, #tpu.memory_space<vmem>>) target_semaphore(%run_scoped3A_84 : memref<!tpu.dma_semaphore, #tpu.memory_space<semaphore_mem>>)
        %dma_wait3A_89 = arith.constant 0 : i32
        %dma_wait3A_90 = tpu.memref_slice %arg4[%add3A_68, %dma_wait3A_89] : memref<2528x128xi32, #tpu.memory_space<hbm>> -> memref<1x128xi32, #tpu.memory_space<hbm>>
        %dma_wait3A_91 = arith.constant 0 : i32
        %dma_wait3A_92 = tpu.memref_slice %arg4[%add3A_68, %dma_wait3A_91] : memref<2528x128xi32, #tpu.memory_space<hbm>> -> memref<1x128xi32, #tpu.memory_space<hbm>>
        tpu.wait_dma2 semaphore(%run_scoped3A_84 : memref<!tpu.dma_semaphore, #tpu.memory_space<semaphore_mem>>) src(%dma_wait3A_92 : memref<1x128xi32, #tpu.memory_space<hbm>>) dst(%arg10 : memref<1x128xi32, #tpu.memory_space<vmem>>)
        tpu.yield
      }) : () -> ()
      %dma_start3A = arith.constant 0 : i32
      %dma_start3A_69 = arith.constant 0 : i32
      %dma_start3A_70 = tpu.memref_slice %arg2[%dma_start3A, %dma_start3A_69] : memref<10000x128xf32, #tpu.memory_space<hbm>> -> memref<10000x128xf32, #tpu.memory_space<hbm>>
      tpu.enqueue_indirect_dma source(%dma_start3A_70 : memref<10000x128xf32, #tpu.memory_space<hbm>>) target(%arg11 : memref<128x128xf32, #tpu.memory_space<vmem>>) offsets(%arg8 : memref<128xi32, #tpu.memory_space<vmem>>) semaphore(%arg15 : memref<!tpu.dma_semaphore, #tpu.memory_space<semaphore_mem>>)
      %dma_start3A_71 = arith.constant 0 : i32
      %dma_start3A_72 = arith.constant 0 : i32
      %dma_start3A_73 = tpu.memref_slice %arg13[%dma_start3A_71, %dma_start3A_72] : memref<100x128xf32, #tpu.memory_space<vmem_shared>> -> memref<100x128xf32, #tpu.memory_space<vmem_shared>>
      tpu.enqueue_indirect_dma source(%dma_start3A_73 : memref<100x128xf32, #tpu.memory_space<vmem_shared>>) target(%arg12 : memref<128x128xf32, #tpu.memory_space<vmem>>) offsets(%arg9 : memref<128xi32, #tpu.memory_space<vmem>>) semaphore(%arg16 : memref<!tpu.dma_semaphore, #tpu.memory_space<semaphore_mem>>)
      %dma_wait3A = arith.constant 0 : i32
      %dma_wait3A_74 = arith.constant 0 : i32
      %dma_wait3A_75 = tpu.memref_slice %arg2[%dma_wait3A, %dma_wait3A_74] : memref<10000x128xf32, #tpu.memory_space<hbm>> -> memref<10000x128xf32, #tpu.memory_space<hbm>>
      tpu.wait_indirect_dma semaphore(%arg15 : memref<!tpu.dma_semaphore, #tpu.memory_space<semaphore_mem>>) src(%dma_wait3A_75 : memref<10000x128xf32, #tpu.memory_space<hbm>>) dst(%arg11 : memref<128x128xf32, #tpu.memory_space<vmem>>)
      %dma_wait3A_76 = arith.constant 0 : i32
      %dma_wait3A_77 = arith.constant 0 : i32
      %dma_wait3A_78 = tpu.memref_slice %arg13[%dma_wait3A_76, %dma_wait3A_77] : memref<100x128xf32, #tpu.memory_space<vmem_shared>> -> memref<100x128xf32, #tpu.memory_space<vmem_shared>>
      tpu.wait_indirect_dma semaphore(%arg16 : memref<!tpu.dma_semaphore, #tpu.memory_space<semaphore_mem>>) src(%dma_wait3A_78 : memref<100x128xf32, #tpu.memory_space<vmem_shared>>) dst(%arg12 : memref<128x128xf32, #tpu.memory_space<vmem>>)
      %scan3A_79 = arith.constant 0 : i32
      %scan3A_80 = arith.constant 128 : i32
      %scan3A_81 = arith.addi %scan3A_79, %scan3A_80 : i32
      %scan3A_82 = arith.constant 1 : i32
      scf.for %scan3A_84 = %scan3A_79 to %scan3A_81 step %scan3A_82  : i32 {
        %mul3A_85 = arith.constant 1 : i32
        %mul3A_86 = arith.muli %scan3A_84, %mul3A_85 : i32
        %add3A_87 = arith.constant 0 : i32
        %add3A_88 = arith.addi %add3A_87, %mul3A_86 : i32
        %get3A = arith.index_cast %add3A_88 : i32 to index
        %get3A_89 = arith.constant 0 : index
        %get3A_90 = tpu.vector_load %arg11[%get3A, %get3A_89] {strides = array<i32>} : memref<128x128xf32, #tpu.memory_space<vmem>>, vector<1x16xf32>,
        %get3A_91 = vector.shape_cast %get3A_90 : vector<1x16xf32> to vector<16xf32>
        %get3A_92 = arith.index_cast %add3A_88 : i32 to index
        %get3A_93 = arith.constant 0 : index
        %get3A_94 = tpu.vector_load %arg12[%get3A_92, %get3A_93] {strides = array<i32>} : memref<128x128xf32, #tpu.memory_space<vmem>>, vector<1x16xf32>,
        %get3A_95 = vector.shape_cast %get3A_94 : vector<1x16xf32> to vector<16xf32>
        %add3A_96 = arith.addf %get3A_91, %get3A_95 : vector<16xf32>
        %max3A = arith.constant 0.000000e+00 : f32
        %max3A_97 = vector.broadcast %max3A : f32 to vector<16xf32>
        %max3A_98 = arith.maximumf %add3A_96, %max3A_97 : vector<16xf32>
        %swap3A = arith.index_cast %add3A_88 : i32 to index
        %swap3A_99 = arith.constant 0 : index
        %swap3A_100 = tpu.vector_load %arg11[%swap3A, %swap3A_99] {strides = array<i32>} : memref<128x128xf32, #tpu.memory_space<vmem>>, vector<1x16xf32>,
        %swap3A_101 = vector.shape_cast %swap3A_100 : vector<1x16xf32> to vector<16xf32>
        %swap3A_102 = vector.shape_cast %max3A_98 : vector<16xf32> to vector<1x16xf32>
        tpu.vector_store %arg11[%swap3A, %swap3A_99], %swap3A_102 {strides = array<i32>} : memref<128x128xf32, #tpu.memory_space<vmem>>, vector<1x16xf32>,
        %get3A_103 = arith.index_cast %add3A_88 : i32 to index
        %get3A_104 = arith.constant 16 : index
        %get3A_105 = tpu.vector_load %arg11[%get3A_103, %get3A_104] {strides = array<i32>} : memref<128x128xf32, #tpu.memory_space<vmem>>, vector<1x16xf32>,
        %get3A_106 = vector.shape_cast %get3A_105 : vector<1x16xf32> to vector<16xf32>
        %get3A_107 = arith.index_cast %add3A_88 : i32 to index
        %get3A_108 = arith.constant 16 : index
        %get3A_109 = tpu.vector_load %arg12[%get3A_107, %get3A_108] {strides = array<i32>} : memref<128x128xf32, #tpu.memory_space<vmem>>, vector<1x16xf32>,
        %get3A_110 = vector.shape_cast %get3A_109 : vector<1x16xf32> to vector<16xf32>
        %add3A_111 = arith.addf %get3A_106, %get3A_110 : vector<16xf32>
        %max3A_112 = arith.constant 0.000000e+00 : f32
        %max3A_113 = vector.broadcast %max3A_112 : f32 to vector<16xf32>
        %max3A_114 = arith.maximumf %add3A_111, %max3A_113 : vector<16xf32>
        %swap3A_115 = arith.index_cast %add3A_88 : i32 to index
        %swap3A_116 = arith.constant 16 : index
        %swap3A_117 = tpu.vector_load %arg11[%swap3A_115, %swap3A_116] {strides = array<i32>} : memref<128x128xf32, #tpu.memory_space<vmem>>, vector<1x16xf32>,
        %swap3A_118 = vector.shape_cast %swap3A_117 : vector<1x16xf32> to vector<16xf32>
        %swap3A_119 = vector.shape_cast %max3A_114 : vector<16xf32> to vector<1x16xf32>
        tpu.vector_store %arg11[%swap3A_115, %swap3A_116], %swap3A_119 {strides = array<i32>} : memref<128x128xf32, #tpu.memory_space<vmem>>, vector<1x16xf32>,
        %get3A_120 = arith.index_cast %add3A_88 : i32 to index
        %get3A_121 = arith.constant 32 : index
        %get3A_122 = tpu.vector_load %arg11[%get3A_120, %get3A_121] {strides = array<i32>} : memref<128x128xf32, #tpu.memory_space<vmem>>, vector<1x16xf32>,
        %get3A_123 = vector.shape_cast %get3A_122 : vector<1x16xf32> to vector<16xf32>
        %get3A_124 = arith.index_cast %add3A_88 : i32 to index
        %get3A_125 = arith.constant 32 : index
        %get3A_126 = tpu.vector_load %arg12[%get3A_124, %get3A_125] {strides = array<i32>} : memref<128x128xf32, #tpu.memory_space<vmem>>, vector<1x16xf32>,
        %get3A_127 = vector.shape_cast %get3A_126 : vector<1x16xf32> to vector<16xf32>
        %add3A_128 = arith.addf %get3A_123, %get3A_127 : vector<16xf32>
        %max3A_129 = arith.constant 0.000000e+00 : f32
        %max3A_130 = vector.broadcast %max3A_129 : f32 to vector<16xf32>
        %max3A_131 = arith.maximumf %add3A_128, %max3A_130 : vector<16xf32>
        %swap3A_132 = arith.index_cast %add3A_88 : i32 to index
        %swap3A_133 = arith.constant 32 : index
        %swap3A_134 = tpu.vector_load %arg11[%swap3A_132, %swap3A_133] {strides = array<i32>} : memref<128x128xf32, #tpu.memory_space<vmem>>, vector<1x16xf32>,
        %swap3A_135 = vector.shape_cast %swap3A_134 : vector<1x16xf32> to vector<16xf32>
        %swap3A_136 = vector.shape_cast %max3A_131 : vector<16xf32> to vector<1x16xf32>
        tpu.vector_store %arg11[%swap3A_132, %swap3A_133], %swap3A_136 {strides = array<i32>} : memref<128x128xf32, #tpu.memory_space<vmem>>, vector<1x16xf32>,
        %get3A_137 = arith.index_cast %add3A_88 : i32 to index
        %get3A_138 = arith.constant 48 : index
        %get3A_139 = tpu.vector_load %arg11[%get3A_137, %get3A_138] {strides = array<i32>} : memref<128x128xf32, #tpu.memory_space<vmem>>, vector<1x16xf32>,
        %get3A_140 = vector.shape_cast %get3A_139 : vector<1x16xf32> to vector<16xf32>
        %get3A_141 = arith.index_cast %add3A_88 : i32 to index
        %get3A_142 = arith.constant 48 : index
        %get3A_143 = tpu.vector_load %arg12[%get3A_141, %get3A_142] {strides = array<i32>} : memref<128x128xf32, #tpu.memory_space<vmem>>, vector<1x16xf32>,
        %get3A_144 = vector.shape_cast %get3A_143 : vector<1x16xf32> to vector<16xf32>
        %add3A_145 = arith.addf %get3A_140, %get3A_144 : vector<16xf32>
        %max3A_146 = arith.constant 0.000000e+00 : f32
        %max3A_147 = vector.broadcast %max3A_146 : f32 to vector<16xf32>
        %max3A_148 = arith.maximumf %add3A_145, %max3A_147 : vector<16xf32>
        %swap3A_149 = arith.index_cast %add3A_88 : i32 to index
        %swap3A_150 = arith.constant 48 : index
        %swap3A_151 = tpu.vector_load %arg11[%swap3A_149, %swap3A_150] {strides = array<i32>} : memref<128x128xf32, #tpu.memory_space<vmem>>, vector<1x16xf32>,
        %swap3A_152 = vector.shape_cast %swap3A_151 : vector<1x16xf32> to vector<16xf32>
        %swap3A_153 = vector.shape_cast %max3A_148 : vector<16xf32> to vector<1x16xf32>
        tpu.vector_store %arg11[%swap3A_149, %swap3A_150], %swap3A_153 {strides = array<i32>} : memref<128x128xf32, #tpu.memory_space<vmem>>, vector<1x16xf32>,
        %get3A_154 = arith.index_cast %add3A_88 : i32 to index
        %get3A_155 = arith.constant 64 : index
        %get3A_156 = tpu.vector_load %arg11[%get3A_154, %get3A_155] {strides = array<i32>} : memref<128x128xf32, #tpu.memory_space<vmem>>, vector<1x16xf32>,
        %get3A_157 = vector.shape_cast %get3A_156 : vector<1x16xf32> to vector<16xf32>
        %get3A_158 = arith.index_cast %add3A_88 : i32 to index
        %get3A_159 = arith.constant 64 : index
        %get3A_160 = tpu.vector_load %arg12[%get3A_158, %get3A_159] {strides = array<i32>} : memref<128x128xf32, #tpu.memory_space<vmem>>, vector<1x16xf32>,
        %get3A_161 = vector.shape_cast %get3A_160 : vector<1x16xf32> to vector<16xf32>
        %add3A_162 = arith.addf %get3A_157, %get3A_161 : vector<16xf32>
        %max3A_163 = arith.constant 0.000000e+00 : f32
        %max3A_164 = vector.broadcast %max3A_163 : f32 to vector<16xf32>
        %max3A_165 = arith.maximumf %add3A_162, %max3A_164 : vector<16xf32>
        %swap3A_166 = arith.index_cast %add3A_88 : i32 to index
        %swap3A_167 = arith.constant 64 : index
        %swap3A_168 = tpu.vector_load %arg11[%swap3A_166, %swap3A_167] {strides = array<i32>} : memref<128x128xf32, #tpu.memory_space<vmem>>, vector<1x16xf32>,
        %swap3A_169 = vector.shape_cast %swap3A_168 : vector<1x16xf32> to vector<16xf32>
        %swap3A_170 = vector.shape_cast %max3A_165 : vector<16xf32> to vector<1x16xf32>
        tpu.vector_store %arg11[%swap3A_166, %swap3A_167], %swap3A_170 {strides = array<i32>} : memref<128x128xf32, #tpu.memory_space<vmem>>, vector<1x16xf32>,
        %get3A_171 = arith.index_cast %add3A_88 : i32 to index
        %get3A_172 = arith.constant 80 : index
        %get3A_173 = tpu.vector_load %arg11[%get3A_171, %get3A_172] {strides = array<i32>} : memref<128x128xf32, #tpu.memory_space<vmem>>, vector<1x16xf32>,
        %get3A_174 = vector.shape_cast %get3A_173 : vector<1x16xf32> to vector<16xf32>
        %get3A_175 = arith.index_cast %add3A_88 : i32 to index
        %get3A_176 = arith.constant 80 : index
        %get3A_177 = tpu.vector_load %arg12[%get3A_175, %get3A_176] {strides = array<i32>} : memref<128x128xf32, #tpu.memory_space<vmem>>, vector<1x16xf32>,
        %get3A_178 = vector.shape_cast %get3A_177 : vector<1x16xf32> to vector<16xf32>
        %add3A_179 = arith.addf %get3A_174, %get3A_178 : vector<16xf32>
        %max3A_180 = arith.constant 0.000000e+00 : f32
        %max3A_181 = vector.broadcast %max3A_180 : f32 to vector<16xf32>
        %max3A_182 = arith.maximumf %add3A_179, %max3A_181 : vector<16xf32>
        %swap3A_183 = arith.index_cast %add3A_88 : i32 to index
        %swap3A_184 = arith.constant 80 : index
        %swap3A_185 = tpu.vector_load %arg11[%swap3A_183, %swap3A_184] {strides = array<i32>} : memref<128x128xf32, #tpu.memory_space<vmem>>, vector<1x16xf32>,
        %swap3A_186 = vector.shape_cast %swap3A_185 : vector<1x16xf32> to vector<16xf32>
        %swap3A_187 = vector.shape_cast %max3A_182 : vector<16xf32> to vector<1x16xf32>
        tpu.vector_store %arg11[%swap3A_183, %swap3A_184], %swap3A_187 {strides = array<i32>} : memref<128x128xf32, #tpu.memory_space<vmem>>, vector<1x16xf32>,
        %get3A_188 = arith.index_cast %add3A_88 : i32 to index
        %get3A_189 = arith.constant 96 : index
        %get3A_190 = tpu.vector_load %arg11[%get3A_188, %get3A_189] {strides = array<i32>} : memref<128x128xf32, #tpu.memory_space<vmem>>, vector<1x16xf32>,
        %get3A_191 = vector.shape_cast %get3A_190 : vector<1x16xf32> to vector<16xf32>
        %get3A_192 = arith.index_cast %add3A_88 : i32 to index
        %get3A_193 = arith.constant 96 : index
        %get3A_194 = tpu.vector_load %arg12[%get3A_192, %get3A_193] {strides = array<i32>} : memref<128x128xf32, #tpu.memory_space<vmem>>, vector<1x16xf32>,
        %get3A_195 = vector.shape_cast %get3A_194 : vector<1x16xf32> to vector<16xf32>
        %add3A_196 = arith.addf %get3A_191, %get3A_195 : vector<16xf32>
        %max3A_197 = arith.constant 0.000000e+00 : f32
        %max3A_198 = vector.broadcast %max3A_197 : f32 to vector<16xf32>
        %max3A_199 = arith.maximumf %add3A_196, %max3A_198 : vector<16xf32>
        %swap3A_200 = arith.index_cast %add3A_88 : i32 to index
        %swap3A_201 = arith.constant 96 : index
        %swap3A_202 = tpu.vector_load %arg11[%swap3A_200, %swap3A_201] {strides = array<i32>} : memref<128x128xf32, #tpu.memory_space<vmem>>, vector<1x16xf32>,
        %swap3A_203 = vector.shape_cast %swap3A_202 : vector<1x16xf32> to vector<16xf32>
        %swap3A_204 = vector.shape_cast %max3A_199 : vector<16xf32> to vector<1x16xf32>
        tpu.vector_store %arg11[%swap3A_200, %swap3A_201], %swap3A_204 {strides = array<i32>} : memref<128x128xf32, #tpu.memory_space<vmem>>, vector<1x16xf32>,
        %get3A_205 = arith.index_cast %add3A_88 : i32 to index
        %get3A_206 = arith.constant 112 : index
        %get3A_207 = tpu.vector_load %arg11[%get3A_205, %get3A_206] {strides = array<i32>} : memref<128x128xf32, #tpu.memory_space<vmem>>, vector<1x16xf32>,
        %get3A_208 = vector.shape_cast %get3A_207 : vector<1x16xf32> to vector<16xf32>
        %get3A_209 = arith.index_cast %add3A_88 : i32 to index
        %get3A_210 = arith.constant 112 : index
        %get3A_211 = tpu.vector_load %arg12[%get3A_209, %get3A_210] {strides = array<i32>} : memref<128x128xf32, #tpu.memory_space<vmem>>, vector<1x16xf32>,
        %get3A_212 = vector.shape_cast %get3A_211 : vector<1x16xf32> to vector<16xf32>
        %add3A_213 = arith.addf %get3A_208, %get3A_212 : vector<16xf32>
        %max3A_214 = arith.constant 0.000000e+00 : f32
        %max3A_215 = vector.broadcast %max3A_214 : f32 to vector<16xf32>
        %max3A_216 = arith.maximumf %add3A_213, %max3A_215 : vector<16xf32>
        %swap3A_217 = arith.index_cast %add3A_88 : i32 to index
        %swap3A_218 = arith.constant 112 : index
        %swap3A_219 = tpu.vector_load %arg11[%swap3A_217, %swap3A_218] {strides = array<i32>} : memref<128x128xf32, #tpu.memory_space<vmem>>, vector<1x16xf32>,
        %swap3A_220 = vector.shape_cast %swap3A_219 : vector<1x16xf32> to vector<16xf32>
        %swap3A_221 = vector.shape_cast %max3A_216 : vector<16xf32> to vector<1x16xf32>
        tpu.vector_store %arg11[%swap3A_217, %swap3A_218], %swap3A_221 {strides = array<i32>} : memref<128x128xf32, #tpu.memory_space<vmem>>, vector<1x16xf32>,
      }
      %scan3A_83 = arith.constant 128 : i32
      %run_scoped3A = arith.constant 0 : i32
      "tpu.region"() ({
        %run_scoped3A_84 = tpu.sem_alloc : memref<!tpu.dma_semaphore, #tpu.memory_space<semaphore_mem>>
        %dma_start3A_85 = arith.constant 0 : i32
        %dma_start3A_86 = tpu.memref_slice %arg10[%run_scoped3A, %dma_start3A_85] : memref<1x128xi32, #tpu.memory_space<vmem>> -> memref<1x128xi32, #tpu.memory_space<vmem>>
        %dma_start3A_87 = tpu.memref_squeeze %dma_start3A_86 : memref<1x128xi32, #tpu.memory_space<vmem>> -> memref<128xi32, #tpu.memory_space<vmem>>
        %dma_start3A_88 = arith.constant 0 : i32
        %dma_start3A_89 = arith.constant 0 : i32
        %dma_start3A_90 = tpu.memref_slice %arg14[%dma_start3A_88, %dma_start3A_89] : memref<10240x128xf32, #tpu.memory_space<vmem_shared>> -> memref<10240x128xf32, #tpu.memory_space<vmem_shared>>
        tpu.enqueue_indirect_dma source(%arg11 : memref<128x128xf32, #tpu.memory_space<vmem>>) target(%dma_start3A_90 : memref<10240x128xf32, #tpu.memory_space<vmem_shared>>) offsets(%dma_start3A_87 : memref<128xi32, #tpu.memory_space<vmem>>) semaphore(%run_scoped3A_84 : memref<!tpu.dma_semaphore, #tpu.memory_space<semaphore_mem>>) {add = true}
        %dma_wait3A_91 = arith.constant 0 : i32
        %dma_wait3A_92 = tpu.memref_slice %arg10[%run_scoped3A, %dma_wait3A_91] : memref<1x128xi32, #tpu.memory_space<vmem>> -> memref<1x128xi32, #tpu.memory_space<vmem>>
        %dma_wait3A_93 = tpu.memref_squeeze %dma_wait3A_92 : memref<1x128xi32, #tpu.memory_space<vmem>> -> memref<128xi32, #tpu.memory_space<vmem>>
        %dma_wait3A_94 = arith.constant 0 : i32
        %dma_wait3A_95 = arith.constant 0 : i32
        %dma_wait3A_96 = tpu.memref_slice %arg14[%dma_wait3A_94, %dma_wait3A_95] : memref<10240x128xf32, #tpu.memory_space<vmem_shared>> -> memref<10240x128xf32, #tpu.memory_space<vmem_shared>>
        tpu.wait_indirect_dma semaphore(%run_scoped3A_84 : memref<!tpu.dma_semaphore, #tpu.memory_space<semaphore_mem>>) src(%arg11 : memref<128x128xf32, #tpu.memory_space<vmem>>) dst(%dma_wait3A_96 : memref<10240x128xf32, #tpu.memory_space<vmem_shared>>)
        tpu.yield
      }) : () -> ()
    }
    %scan3A_33 = arith.constant 79 : i32
    %barrier3A_34 = arith.constant 0 : index
    tpu.barrier barrier_id(%barrier3A_34)
    %mul3A_35 = arith.constant 640 : i32
    %mul3A_36 = arith.muli %arg1, %mul3A_35 : i32
    %add3A_37 = arith.constant 0 : i32
    %add3A_38 = arith.addi %mul3A_36, %add3A_37 : i32
    "tpu.region"() ({
      %run_scoped3A = tpu.sem_alloc : memref<!tpu.dma_semaphore, #tpu.memory_space<semaphore_mem>>
      %dma_start3A = arith.constant 0 : i32
      %dma_start3A_55 = tpu.memref_slice %arg14[%add3A_38, %dma_start3A] : memref<10240x128xf32, #tpu.memory_space<vmem_shared>> -> memref<128x128xf32, #tpu.memory_space<vmem_shared>>
      %dma_start3A_56 = arith.constant 0 : i32
      %dma_start3A_57 = tpu.memref_slice %arg14[%add3A_38, %dma_start3A_56] : memref<10240x128xf32, #tpu.memory_space<vmem_shared>> -> memref<128x128xf32, #tpu.memory_space<vmem_shared>>
      tpu.enqueue_dma source(%dma_start3A_57 : memref<128x128xf32, #tpu.memory_space<vmem_shared>>) target(%arg11 : memref<128x128xf32, #tpu.memory_space<vmem>>) target_semaphore(%run_scoped3A : memref<!tpu.dma_semaphore, #tpu.memory_space<semaphore_mem>>)
      %dma_wait3A = arith.constant 0 : i32
      %dma_wait3A_58 = tpu.memref_slice %arg14[%add3A_38, %dma_wait3A] : memref<10240x128xf32, #tpu.memory_space<vmem_shared>> -> memref<128x128xf32, #tpu.memory_space<vmem_shared>>
      %dma_wait3A_59 = arith.constant 0 : i32
      %dma_wait3A_60 = tpu.memref_slice %arg14[%add3A_38, %dma_wait3A_59] : memref<10240x128xf32, #tpu.memory_space<vmem_shared>> -> memref<128x128xf32, #tpu.memory_space<vmem_shared>>
      tpu.wait_dma2 semaphore(%run_scoped3A : memref<!tpu.dma_semaphore, #tpu.memory_space<semaphore_mem>>) src(%dma_wait3A_60 : memref<128x128xf32, #tpu.memory_space<vmem_shared>>) dst(%arg11 : memref<128x128xf32, #tpu.memory_space<vmem>>)
      tpu.yield
    }) : () -> ()
    "tpu.region"() ({
      %run_scoped3A = tpu.sem_alloc : memref<!tpu.dma_semaphore, #tpu.memory_space<semaphore_mem>>
      %dma_start3A = arith.constant 0 : i32
      %dma_start3A_55 = tpu.memref_slice %arg7[%arg0, %add3A_38, %dma_start3A] : memref<2x10240x128xf32, #tpu.memory_space<hbm>> -> memref<1x128x128xf32, #tpu.memory_space<hbm>>
      %dma_start3A_56 = tpu.memref_squeeze %dma_start3A_55 : memref<1x128x128xf32, #tpu.memory_space<hbm>> -> memref<128x128xf32, #tpu.memory_space<hbm>>
      %dma_start3A_57 = arith.constant 0 : i32
      %dma_start3A_58 = tpu.memref_slice %arg7[%arg0, %add3A_38, %dma_start3A_57] : memref<2x10240x128xf32, #tpu.memory_space<hbm>> -> memref<1x128x128xf32, #tpu.memory_space<hbm>>
      %dma_start3A_59 = tpu.memref_squeeze %dma_start3A_58 : memref<1x128x128xf32, #tpu.memory_space<hbm>> -> memref<128x128xf32, #tpu.memory_space<hbm>>
      tpu.enqueue_dma source(%arg11 : memref<128x128xf32, #tpu.memory_space<vmem>>) target(%dma_start3A_59 : memref<128x128xf32, #tpu.memory_space<hbm>>) target_semaphore(%run_scoped3A : memref<!tpu.dma_semaphore, #tpu.memory_space<semaphore_mem>>)
      %dma_wait3A = arith.constant 0 : i32
      %dma_wait3A_60 = tpu.memref_slice %arg7[%arg0, %add3A_38, %dma_wait3A] : memref<2x10240x128xf32, #tpu.memory_space<hbm>> -> memref<1x128x128xf32, #tpu.memory_space<hbm>>
      %dma_wait3A_61 = tpu.memref_squeeze %dma_wait3A_60 : memref<1x128x128xf32, #tpu.memory_space<hbm>> -> memref<128x128xf32, #tpu.memory_space<hbm>>
      %dma_wait3A_62 = arith.constant 0 : i32
      %dma_wait3A_63 = tpu.memref_slice %arg7[%arg0, %add3A_38, %dma_wait3A_62] : memref<2x10240x128xf32, #tpu.memory_space<hbm>> -> memref<1x128x128xf32, #tpu.memory_space<hbm>>
      %dma_wait3A_64 = tpu.memref_squeeze %dma_wait3A_63 : memref<1x128x128xf32, #tpu.memory_space<hbm>> -> memref<128x128xf32, #tpu.memory_space<hbm>>
      tpu.wait_dma2 semaphore(%run_scoped3A : memref<!tpu.dma_semaphore, #tpu.memory_space<semaphore_mem>>) src(%arg11 : memref<128x128xf32, #tpu.memory_space<vmem>>) dst(%dma_wait3A_64 : memref<128x128xf32, #tpu.memory_space<hbm>>)
      tpu.yield
    }) : () -> ()
    %mul3A_39 = arith.constant 640 : i32
    %mul3A_40 = arith.muli %arg1, %mul3A_39 : i32
    %add3A_41 = arith.constant 128 : i32
    %add3A_42 = arith.addi %mul3A_40, %add3A_41 : i32
    "tpu.region"() ({
      %run_scoped3A = tpu.sem_alloc : memref<!tpu.dma_semaphore, #tpu.memory_space<semaphore_mem>>
      %dma_start3A = arith.constant 0 : i32
      %dma_start3A_55 = tpu.memref_slice %arg14[%add3A_42, %dma_start3A] : memref<10240x128xf32, #tpu.memory_space<vmem_shared>> -> memref<128x128xf32, #tpu.memory_space<vmem_shared>>
      %dma_start3A_56 = arith.constant 0 : i32
      %dma_start3A_57 = tpu.memref_slice %arg14[%add3A_42, %dma_start3A_56] : memref<10240x128xf32, #tpu.memory_space<vmem_shared>> -> memref<128x128xf32, #tpu.memory_space<vmem_shared>>
      tpu.enqueue_dma source(%dma_start3A_57 : memref<128x128xf32, #tpu.memory_space<vmem_shared>>) target(%arg11 : memref<128x128xf32, #tpu.memory_space<vmem>>) target_semaphore(%run_scoped3A : memref<!tpu.dma_semaphore, #tpu.memory_space<semaphore_mem>>)
      %dma_wait3A = arith.constant 0 : i32
      %dma_wait3A_58 = tpu.memref_slice %arg14[%add3A_42, %dma_wait3A] : memref<10240x128xf32, #tpu.memory_space<vmem_shared>> -> memref<128x128xf32, #tpu.memory_space<vmem_shared>>
      %dma_wait3A_59 = arith.constant 0 : i32
      %dma_wait3A_60 = tpu.memref_slice %arg14[%add3A_42, %dma_wait3A_59] : memref<10240x128xf32, #tpu.memory_space<vmem_shared>> -> memref<128x128xf32, #tpu.memory_space<vmem_shared>>
      tpu.wait_dma2 semaphore(%run_scoped3A : memref<!tpu.dma_semaphore, #tpu.memory_space<semaphore_mem>>) src(%dma_wait3A_60 : memref<128x128xf32, #tpu.memory_space<vmem_shared>>) dst(%arg11 : memref<128x128xf32, #tpu.memory_space<vmem>>)
      tpu.yield
    }) : () -> ()
    "tpu.region"() ({
      %run_scoped3A = tpu.sem_alloc : memref<!tpu.dma_semaphore, #tpu.memory_space<semaphore_mem>>
      %dma_start3A = arith.constant 0 : i32
      %dma_start3A_55 = tpu.memref_slice %arg7[%arg0, %add3A_42, %dma_start3A] : memref<2x10240x128xf32, #tpu.memory_space<hbm>> -> memref<1x128x128xf32, #tpu.memory_space<hbm>>
      %dma_start3A_56 = tpu.memref_squeeze %dma_start3A_55 : memref<1x128x128xf32, #tpu.memory_space<hbm>> -> memref<128x128xf32, #tpu.memory_space<hbm>>
      %dma_start3A_57 = arith.constant 0 : i32
      %dma_start3A_58 = tpu.memref_slice %arg7[%arg0, %add3A_42, %dma_start3A_57] : memref<2x10240x128xf32, #tpu.memory_space<hbm>> -> memref<1x128x128xf32, #tpu.memory_space<hbm>>
      %dma_start3A_59 = tpu.memref_squeeze %dma_start3A_58 : memref<1x128x128xf32, #tpu.memory_space<hbm>> -> memref<128x128xf32, #tpu.memory_space<hbm>>
      tpu.enqueue_dma source(%arg11 : memref<128x128xf32, #tpu.memory_space<vmem>>) target(%dma_start3A_59 : memref<128x128xf32, #tpu.memory_space<hbm>>) target_semaphore(%run_scoped3A : memref<!tpu.dma_semaphore, #tpu.memory_space<semaphore_mem>>)
      %dma_wait3A = arith.constant 0 : i32
      %dma_wait3A_60 = tpu.memref_slice %arg7[%arg0, %add3A_42, %dma_wait3A] : memref<2x10240x128xf32, #tpu.memory_space<hbm>> -> memref<1x128x128xf32, #tpu.memory_space<hbm>>
      %dma_wait3A_61 = tpu.memref_squeeze %dma_wait3A_60 : memref<1x128x128xf32, #tpu.memory_space<hbm>> -> memref<128x128xf32, #tpu.memory_space<hbm>>
      %dma_wait3A_62 = arith.constant 0 : i32
      %dma_wait3A_63 = tpu.memref_slice %arg7[%arg0, %add3A_42, %dma_wait3A_62] : memref<2x10240x128xf32, #tpu.memory_space<hbm>> -> memref<1x128x128xf32, #tpu.memory_space<hbm>>
      %dma_wait3A_64 = tpu.memref_squeeze %dma_wait3A_63 : memref<1x128x128xf32, #tpu.memory_space<hbm>> -> memref<128x128xf32, #tpu.memory_space<hbm>>
      tpu.wait_dma2 semaphore(%run_scoped3A : memref<!tpu.dma_semaphore, #tpu.memory_space<semaphore_mem>>) src(%arg11 : memref<128x128xf32, #tpu.memory_space<vmem>>) dst(%dma_wait3A_64 : memref<128x128xf32, #tpu.memory_space<hbm>>)
      tpu.yield
    }) : () -> ()
    %mul3A_43 = arith.constant 640 : i32
    %mul3A_44 = arith.muli %arg1, %mul3A_43 : i32
    %add3A_45 = arith.constant 256 : i32
    %add3A_46 = arith.addi %mul3A_44, %add3A_45 : i32
    "tpu.region"() ({
      %run_scoped3A = tpu.sem_alloc : memref<!tpu.dma_semaphore, #tpu.memory_space<semaphore_mem>>
      %dma_start3A = arith.constant 0 : i32
      %dma_start3A_55 = tpu.memref_slice %arg14[%add3A_46, %dma_start3A] : memref<10240x128xf32, #tpu.memory_space<vmem_shared>> -> memref<128x128xf32, #tpu.memory_space<vmem_shared>>
      %dma_start3A_56 = arith.constant 0 : i32
      %dma_start3A_57 = tpu.memref_slice %arg14[%add3A_46, %dma_start3A_56] : memref<10240x128xf32, #tpu.memory_space<vmem_shared>> -> memref<128x128xf32, #tpu.memory_space<vmem_shared>>
      tpu.enqueue_dma source(%dma_start3A_57 : memref<128x128xf32, #tpu.memory_space<vmem_shared>>) target(%arg11 : memref<128x128xf32, #tpu.memory_space<vmem>>) target_semaphore(%run_scoped3A : memref<!tpu.dma_semaphore, #tpu.memory_space<semaphore_mem>>)
      %dma_wait3A = arith.constant 0 : i32
      %dma_wait3A_58 = tpu.memref_slice %arg14[%add3A_46, %dma_wait3A] : memref<10240x128xf32, #tpu.memory_space<vmem_shared>> -> memref<128x128xf32, #tpu.memory_space<vmem_shared>>
      %dma_wait3A_59 = arith.constant 0 : i32
      %dma_wait3A_60 = tpu.memref_slice %arg14[%add3A_46, %dma_wait3A_59] : memref<10240x128xf32, #tpu.memory_space<vmem_shared>> -> memref<128x128xf32, #tpu.memory_space<vmem_shared>>
      tpu.wait_dma2 semaphore(%run_scoped3A : memref<!tpu.dma_semaphore, #tpu.memory_space<semaphore_mem>>) src(%dma_wait3A_60 : memref<128x128xf32, #tpu.memory_space<vmem_shared>>) dst(%arg11 : memref<128x128xf32, #tpu.memory_space<vmem>>)
      tpu.yield
    }) : () -> ()
    "tpu.region"() ({
      %run_scoped3A = tpu.sem_alloc : memref<!tpu.dma_semaphore, #tpu.memory_space<semaphore_mem>>
      %dma_start3A = arith.constant 0 : i32
      %dma_start3A_55 = tpu.memref_slice %arg7[%arg0, %add3A_46, %dma_start3A] : memref<2x10240x128xf32, #tpu.memory_space<hbm>> -> memref<1x128x128xf32, #tpu.memory_space<hbm>>
      %dma_start3A_56 = tpu.memref_squeeze %dma_start3A_55 : memref<1x128x128xf32, #tpu.memory_space<hbm>> -> memref<128x128xf32, #tpu.memory_space<hbm>>
      %dma_start3A_57 = arith.constant 0 : i32
      %dma_start3A_58 = tpu.memref_slice %arg7[%arg0, %add3A_46, %dma_start3A_57] : memref<2x10240x128xf32, #tpu.memory_space<hbm>> -> memref<1x128x128xf32, #tpu.memory_space<hbm>>
      %dma_start3A_59 = tpu.memref_squeeze %dma_start3A_58 : memref<1x128x128xf32, #tpu.memory_space<hbm>> -> memref<128x128xf32, #tpu.memory_space<hbm>>
      tpu.enqueue_dma source(%arg11 : memref<128x128xf32, #tpu.memory_space<vmem>>) target(%dma_start3A_59 : memref<128x128xf32, #tpu.memory_space<hbm>>) target_semaphore(%run_scoped3A : memref<!tpu.dma_semaphore, #tpu.memory_space<semaphore_mem>>)
      %dma_wait3A = arith.constant 0 : i32
      %dma_wait3A_60 = tpu.memref_slice %arg7[%arg0, %add3A_46, %dma_wait3A] : memref<2x10240x128xf32, #tpu.memory_space<hbm>> -> memref<1x128x128xf32, #tpu.memory_space<hbm>>
      %dma_wait3A_61 = tpu.memref_squeeze %dma_wait3A_60 : memref<1x128x128xf32, #tpu.memory_space<hbm>> -> memref<128x128xf32, #tpu.memory_space<hbm>>
      %dma_wait3A_62 = arith.constant 0 : i32
      %dma_wait3A_63 = tpu.memref_slice %arg7[%arg0, %add3A_46, %dma_wait3A_62] : memref<2x10240x128xf32, #tpu.memory_space<hbm>> -> memref<1x128x128xf32, #tpu.memory_space<hbm>>
      %dma_wait3A_64 = tpu.memref_squeeze %dma_wait3A_63 : memref<1x128x128xf32, #tpu.memory_space<hbm>> -> memref<128x128xf32, #tpu.memory_space<hbm>>
      tpu.wait_dma2 semaphore(%run_scoped3A : memref<!tpu.dma_semaphore, #tpu.memory_space<semaphore_mem>>) src(%arg11 : memref<128x128xf32, #tpu.memory_space<vmem>>) dst(%dma_wait3A_64 : memref<128x128xf32, #tpu.memory_space<hbm>>)
      tpu.yield
    }) : () -> ()
    %mul3A_47 = arith.constant 640 : i32
    %mul3A_48 = arith.muli %arg1, %mul3A_47 : i32
    %add3A_49 = arith.constant 384 : i32
    %add3A_50 = arith.addi %mul3A_48, %add3A_49 : i32
    "tpu.region"() ({
      %run_scoped3A = tpu.sem_alloc : memref<!tpu.dma_semaphore, #tpu.memory_space<semaphore_mem>>
      %dma_start3A = arith.constant 0 : i32
      %dma_start3A_55 = tpu.memref_slice %arg14[%add3A_50, %dma_start3A] : memref<10240x128xf32, #tpu.memory_space<vmem_shared>> -> memref<128x128xf32, #tpu.memory_space<vmem_shared>>
      %dma_start3A_56 = arith.constant 0 : i32
      %dma_start3A_57 = tpu.memref_slice %arg14[%add3A_50, %dma_start3A_56] : memref<10240x128xf32, #tpu.memory_space<vmem_shared>> -> memref<128x128xf32, #tpu.memory_space<vmem_shared>>
      tpu.enqueue_dma source(%dma_start3A_57 : memref<128x128xf32, #tpu.memory_space<vmem_shared>>) target(%arg11 : memref<128x128xf32, #tpu.memory_space<vmem>>) target_semaphore(%run_scoped3A : memref<!tpu.dma_semaphore, #tpu.memory_space<semaphore_mem>>)
      %dma_wait3A = arith.constant 0 : i32
      %dma_wait3A_58 = tpu.memref_slice %arg14[%add3A_50, %dma_wait3A] : memref<10240x128xf32, #tpu.memory_space<vmem_shared>> -> memref<128x128xf32, #tpu.memory_space<vmem_shared>>
      %dma_wait3A_59 = arith.constant 0 : i32
      %dma_wait3A_60 = tpu.memref_slice %arg14[%add3A_50, %dma_wait3A_59] : memref<10240x128xf32, #tpu.memory_space<vmem_shared>> -> memref<128x128xf32, #tpu.memory_space<vmem_shared>>
      tpu.wait_dma2 semaphore(%run_scoped3A : memref<!tpu.dma_semaphore, #tpu.memory_space<semaphore_mem>>) src(%dma_wait3A_60 : memref<128x128xf32, #tpu.memory_space<vmem_shared>>) dst(%arg11 : memref<128x128xf32, #tpu.memory_space<vmem>>)
      tpu.yield
    }) : () -> ()
    "tpu.region"() ({
      %run_scoped3A = tpu.sem_alloc : memref<!tpu.dma_semaphore, #tpu.memory_space<semaphore_mem>>
      %dma_start3A = arith.constant 0 : i32
      %dma_start3A_55 = tpu.memref_slice %arg7[%arg0, %add3A_50, %dma_start3A] : memref<2x10240x128xf32, #tpu.memory_space<hbm>> -> memref<1x128x128xf32, #tpu.memory_space<hbm>>
      %dma_start3A_56 = tpu.memref_squeeze %dma_start3A_55 : memref<1x128x128xf32, #tpu.memory_space<hbm>> -> memref<128x128xf32, #tpu.memory_space<hbm>>
      %dma_start3A_57 = arith.constant 0 : i32
      %dma_start3A_58 = tpu.memref_slice %arg7[%arg0, %add3A_50, %dma_start3A_57] : memref<2x10240x128xf32, #tpu.memory_space<hbm>> -> memref<1x128x128xf32, #tpu.memory_space<hbm>>
      %dma_start3A_59 = tpu.memref_squeeze %dma_start3A_58 : memref<1x128x128xf32, #tpu.memory_space<hbm>> -> memref<128x128xf32, #tpu.memory_space<hbm>>
      tpu.enqueue_dma source(%arg11 : memref<128x128xf32, #tpu.memory_space<vmem>>) target(%dma_start3A_59 : memref<128x128xf32, #tpu.memory_space<hbm>>) target_semaphore(%run_scoped3A : memref<!tpu.dma_semaphore, #tpu.memory_space<semaphore_mem>>)
      %dma_wait3A = arith.constant 0 : i32
      %dma_wait3A_60 = tpu.memref_slice %arg7[%arg0, %add3A_50, %dma_wait3A] : memref<2x10240x128xf32, #tpu.memory_space<hbm>> -> memref<1x128x128xf32, #tpu.memory_space<hbm>>
      %dma_wait3A_61 = tpu.memref_squeeze %dma_wait3A_60 : memref<1x128x128xf32, #tpu.memory_space<hbm>> -> memref<128x128xf32, #tpu.memory_space<hbm>>
      %dma_wait3A_62 = arith.constant 0 : i32
      %dma_wait3A_63 = tpu.memref_slice %arg7[%arg0, %add3A_50, %dma_wait3A_62] : memref<2x10240x128xf32, #tpu.memory_space<hbm>> -> memref<1x128x128xf32, #tpu.memory_space<hbm>>
      %dma_wait3A_64 = tpu.memref_squeeze %dma_wait3A_63 : memref<1x128x128xf32, #tpu.memory_space<hbm>> -> memref<128x128xf32, #tpu.memory_space<hbm>>
      tpu.wait_dma2 semaphore(%run_scoped3A : memref<!tpu.dma_semaphore, #tpu.memory_space<semaphore_mem>>) src(%arg11 : memref<128x128xf32, #tpu.memory_space<vmem>>) dst(%dma_wait3A_64 : memref<128x128xf32, #tpu.memory_space<hbm>>)
      tpu.yield
    }) : () -> ()
    %mul3A_51 = arith.constant 640 : i32
    %mul3A_52 = arith.muli %arg1, %mul3A_51 : i32
    %add3A_53 = arith.constant 512 : i32
    %add3A_54 = arith.addi %mul3A_52, %add3A_53 : i32
    "tpu.region"() ({
      %run_scoped3A = tpu.sem_alloc : memref<!tpu.dma_semaphore, #tpu.memory_space<semaphore_mem>>
      %dma_start3A = arith.constant 0 : i32
      %dma_start3A_55 = tpu.memref_slice %arg14[%add3A_54, %dma_start3A] : memref<10240x128xf32, #tpu.memory_space<vmem_shared>> -> memref<128x128xf32, #tpu.memory_space<vmem_shared>>
      %dma_start3A_56 = arith.constant 0 : i32
      %dma_start3A_57 = tpu.memref_slice %arg14[%add3A_54, %dma_start3A_56] : memref<10240x128xf32, #tpu.memory_space<vmem_shared>> -> memref<128x128xf32, #tpu.memory_space<vmem_shared>>
      tpu.enqueue_dma source(%dma_start3A_57 : memref<128x128xf32, #tpu.memory_space<vmem_shared>>) target(%arg11 : memref<128x128xf32, #tpu.memory_space<vmem>>) target_semaphore(%run_scoped3A : memref<!tpu.dma_semaphore, #tpu.memory_space<semaphore_mem>>)
      %dma_wait3A = arith.constant 0 : i32
      %dma_wait3A_58 = tpu.memref_slice %arg14[%add3A_54, %dma_wait3A] : memref<10240x128xf32, #tpu.memory_space<vmem_shared>> -> memref<128x128xf32, #tpu.memory_space<vmem_shared>>
      %dma_wait3A_59 = arith.constant 0 : i32
      %dma_wait3A_60 = tpu.memref_slice %arg14[%add3A_54, %dma_wait3A_59] : memref<10240x128xf32, #tpu.memory_space<vmem_shared>> -> memref<128x128xf32, #tpu.memory_space<vmem_shared>>
      tpu.wait_dma2 semaphore(%run_scoped3A : memref<!tpu.dma_semaphore, #tpu.memory_space<semaphore_mem>>) src(%dma_wait3A_60 : memref<128x128xf32, #tpu.memory_space<vmem_shared>>) dst(%arg11 : memref<128x128xf32, #tpu.memory_space<vmem>>)
      tpu.yield
    }) : () -> ()
    "tpu.region"() ({
      %run_scoped3A = tpu.sem_alloc : memref<!tpu.dma_semaphore, #tpu.memory_space<semaphore_mem>>
      %dma_start3A = arith.constant 0 : i32
      %dma_start3A_55 = tpu.memref_slice %arg7[%arg0, %add3A_54, %dma_start3A] : memref<2x10240x128xf32, #tpu.memory_space<hbm>> -> memref<1x128x128xf32, #tpu.memory_space<hbm>>
      %dma_start3A_56 = tpu.memref_squeeze %dma_start3A_55 : memref<1x128x128xf32, #tpu.memory_space<hbm>> -> memref<128x128xf32, #tpu.memory_space<hbm>>
      %dma_start3A_57 = arith.constant 0 : i32
      %dma_start3A_58 = tpu.memref_slice %arg7[%arg0, %add3A_54, %dma_start3A_57] : memref<2x10240x128xf32, #tpu.memory_space<hbm>> -> memref<1x128x128xf32, #tpu.memory_space<hbm>>
      %dma_start3A_59 = tpu.memref_squeeze %dma_start3A_58 : memref<1x128x128xf32, #tpu.memory_space<hbm>> -> memref<128x128xf32, #tpu.memory_space<hbm>>
      tpu.enqueue_dma source(%arg11 : memref<128x128xf32, #tpu.memory_space<vmem>>) target(%dma_start3A_59 : memref<128x128xf32, #tpu.memory_space<hbm>>) target_semaphore(%run_scoped3A : memref<!tpu.dma_semaphore, #tpu.memory_space<semaphore_mem>>)
      %dma_wait3A = arith.constant 0 : i32
      %dma_wait3A_60 = tpu.memref_slice %arg7[%arg0, %add3A_54, %dma_wait3A] : memref<2x10240x128xf32, #tpu.memory_space<hbm>> -> memref<1x128x128xf32, #tpu.memory_space<hbm>>
      %dma_wait3A_61 = tpu.memref_squeeze %dma_wait3A_60 : memref<1x128x128xf32, #tpu.memory_space<hbm>> -> memref<128x128xf32, #tpu.memory_space<hbm>>
      %dma_wait3A_62 = arith.constant 0 : i32
      %dma_wait3A_63 = tpu.memref_slice %arg7[%arg0, %add3A_54, %dma_wait3A_62] : memref<2x10240x128xf32, #tpu.memory_space<hbm>> -> memref<1x128x128xf32, #tpu.memory_space<hbm>>
      %dma_wait3A_64 = tpu.memref_squeeze %dma_wait3A_63 : memref<1x128x128xf32, #tpu.memory_space<hbm>> -> memref<128x128xf32, #tpu.memory_space<hbm>>
      tpu.wait_dma2 semaphore(%run_scoped3A : memref<!tpu.dma_semaphore, #tpu.memory_space<semaphore_mem>>) src(%arg11 : memref<128x128xf32, #tpu.memory_space<vmem>>) dst(%dma_wait3A_64 : memref<128x128xf32, #tpu.memory_space<hbm>>)
      tpu.yield
    }) : () -> ()
    return
  }
}

#map = affine_map<(d0, d1) -> (0, 0)>
#map1 = affine_map<(d0, d1) -> (0)>
#map2 = affine_map<(d0, d1) -> (0, 0, 0)>
module attributes {stable_mosaic.version = 14 : i64} {
  func.func @_sc_aggr_body(%arg0: i32, %arg1: i32, %arg2: memref<10000x128xf32, #tpu.memory_space<hbm>>, %arg3: memref<323584xi32, #tpu.memory_space<hbm>>, %arg4: memref<2528x128xi32, #tpu.memory_space<hbm>>, %arg5: memref<323584xi32, #tpu.memory_space<hbm>>, %arg6: memref<100x128xf32, #tpu.memory_space<hbm>>, %arg7: memref<2x10240x128xf32, #tpu.memory_space<hbm>>, %arg8: memref<128xi32, #tpu.memory_space<vmem>>, %arg9: memref<128xi32, #tpu.memory_space<vmem>>, %arg10: memref<1x128xi32, #tpu.memory_space<vmem>>, %arg11: memref<128x128xf32, #tpu.memory_space<vmem>>, %arg12: memref<128x128xf32, #tpu.memory_space<vmem>>, %arg13: memref<100x128xf32, #tpu.memory_space<vmem_shared>>, %arg14: memref<10240x128xf32, #tpu.memory_space<vmem_shared>>, %arg15: memref<!tpu.dma_semaphore, #tpu.memory_space<semaphore_mem>>, %arg16: memref<!tpu.dma_semaphore, #tpu.memory_space<semaphore_mem>>) attributes {dimension_semantics = [#tpu.dimension_semantics<core_parallel>, #tpu.dimension_semantics<subcore_parallel>], iteration_bounds = array<i64: 2, 16>, scalar_prefetch = 0 : i64, scratch_operands = 9 : i64, tpu.core_type = #tpu.core_type<sc_vector_subcore>, window_params = [{transform_indices = #map}, {transform_indices = #map1}, {transform_indices = #map}, {transform_indices = #map1}, {transform_indices = #map}, {transform_indices = #map2}]} {
    %eq3A = arith.constant 0 : i32
    %eq3A_0 = arith.cmpi eq, %arg1, %eq3A : i32
    %convert_element_type3A = arith.extui %eq3A_0 : i1 to i32
    %cond3A = arith.constant 0 : i32
    %cond3A_1 = arith.cmpi ne, %convert_element_type3A, %cond3A : i32
    scf.if %cond3A_1 {
      "tpu.region"() ({
        %run_scoped3A = tpu.sem_alloc : memref<!tpu.dma_semaphore, #tpu.memory_space<semaphore_mem>>
        %dma_start3A = arith.constant 0 : i32
        %dma_start3A_55 = arith.constant 0 : i32
        %dma_start3A_56 = tpu.memref_slice %arg11[%dma_start3A, %dma_start3A_55] : memref<128x128xf32, #tpu.memory_space<vmem>> -> memref<100x128xf32, #tpu.memory_space<vmem>>
        %dma_start3A_57 = arith.constant 0 : i32
        %dma_start3A_58 = arith.constant 0 : i32
        %dma_start3A_59 = tpu.memref_slice %arg11[%dma_start3A_57, %dma_start3A_58] : memref<128x128xf32, #tpu.memory_space<vmem>> -> memref<100x128xf32, #tpu.memory_space<vmem>>
        tpu.enqueue_dma source(%arg6 : memref<100x128xf32, #tpu.memory_space<hbm>>) target(%dma_start3A_59 : memref<100x128xf32, #tpu.memory_space<vmem>>) target_semaphore(%run_scoped3A : memref<!tpu.dma_semaphore, #tpu.memory_space<semaphore_mem>>)
        %dma_wait3A = arith.constant 0 : i32
        %dma_wait3A_60 = arith.constant 0 : i32
        %dma_wait3A_61 = tpu.memref_slice %arg11[%dma_wait3A, %dma_wait3A_60] : memref<128x128xf32, #tpu.memory_space<vmem>> -> memref<100x128xf32, #tpu.memory_space<vmem>>
        %dma_wait3A_62 = arith.constant 0 : i32
        %dma_wait3A_63 = arith.constant 0 : i32
        %dma_wait3A_64 = tpu.memref_slice %arg11[%dma_wait3A_62, %dma_wait3A_63] : memref<128x128xf32, #tpu.memory_space<vmem>> -> memref<100x128xf32, #tpu.memory_space<vmem>>
        tpu.wait_dma2 semaphore(%run_scoped3A : memref<!tpu.dma_semaphore, #tpu.memory_space<semaphore_mem>>) src(%arg6 : memref<100x128xf32, #tpu.memory_space<hbm>>) dst(%dma_wait3A_64 : memref<100x128xf32, #tpu.memory_space<vmem>>)
        tpu.yield
      }) : () -> ()
      "tpu.region"() ({
        %run_scoped3A = tpu.sem_alloc : memref<!tpu.dma_semaphore, #tpu.memory_space<semaphore_mem>>
        %dma_start3A = arith.constant 0 : i32
        %dma_start3A_55 = arith.constant 0 : i32
        %dma_start3A_56 = tpu.memref_slice %arg11[%dma_start3A, %dma_start3A_55] : memref<128x128xf32, #tpu.memory_space<vmem>> -> memref<100x128xf32, #tpu.memory_space<vmem>>
        %dma_start3A_57 = arith.constant 0 : i32
        %dma_start3A_58 = arith.constant 0 : i32
        %dma_start3A_59 = tpu.memref_slice %arg11[%dma_start3A_57, %dma_start3A_58] : memref<128x128xf32, #tpu.memory_space<vmem>> -> memref<100x128xf32, #tpu.memory_space<vmem>>
        tpu.enqueue_dma source(%dma_start3A_59 : memref<100x128xf32, #tpu.memory_space<vmem>>) target(%arg13 : memref<100x128xf32, #tpu.memory_space<vmem_shared>>) target_semaphore(%run_scoped3A : memref<!tpu.dma_semaphore, #tpu.memory_space<semaphore_mem>>)
        %dma_wait3A = arith.constant 0 : i32
        %dma_wait3A_60 = arith.constant 0 : i32
        %dma_wait3A_61 = tpu.memref_slice %arg11[%dma_wait3A, %dma_wait3A_60] : memref<128x128xf32, #tpu.memory_space<vmem>> -> memref<100x128xf32, #tpu.memory_space<vmem>>
        %dma_wait3A_62 = arith.constant 0 : i32
        %dma_wait3A_63 = arith.constant 0 : i32
        %dma_wait3A_64 = tpu.memref_slice %arg11[%dma_wait3A_62, %dma_wait3A_63] : memref<128x128xf32, #tpu.memory_space<vmem>> -> memref<100x128xf32, #tpu.memory_space<vmem>>
        tpu.wait_dma2 semaphore(%run_scoped3A : memref<!tpu.dma_semaphore, #tpu.memory_space<semaphore_mem>>) src(%dma_wait3A_64 : memref<100x128xf32, #tpu.memory_space<vmem>>) dst(%arg13 : memref<100x128xf32, #tpu.memory_space<vmem_shared>>)
        tpu.yield
      }) : () -> ()
    } else {
    }
    %scan3A = arith.constant 0 : i32
    %scan3A_2 = arith.constant 128 : i32
    %scan3A_3 = arith.addi %scan3A, %scan3A_2 : i32
    %scan3A_4 = arith.constant 1 : i32
    scf.for %scan3A_55 = %scan3A to %scan3A_3 step %scan3A_4  : i32 {
      %mul3A_56 = arith.constant 1 : i32
      %mul3A_57 = arith.muli %scan3A_55, %mul3A_56 : i32
      %add3A_58 = arith.constant 0 : i32
      %add3A_59 = arith.addi %add3A_58, %mul3A_57 : i32
      %broadcast_in_dim3A = arith.constant 0.000000e+00 : f32
      %broadcast_in_dim3A_60 = vector.broadcast %broadcast_in_dim3A : f32 to vector<16xf32>
      %swap3A = arith.index_cast %add3A_59 : i32 to index
      %swap3A_61 = arith.constant 0 : index
      %swap3A_62 = tpu.vector_load %arg11[%swap3A, %swap3A_61] {strides = array<i32>} : memref<128x128xf32, #tpu.memory_space<vmem>>, vector<1x16xf32>,
      %swap3A_63 = vector.shape_cast %swap3A_62 : vector<1x16xf32> to vector<16xf32>
      %swap3A_64 = vector.shape_cast %broadcast_in_dim3A_60 : vector<16xf32> to vector<1x16xf32>
      tpu.vector_store %arg11[%swap3A, %swap3A_61], %swap3A_64 {strides = array<i32>} : memref<128x128xf32, #tpu.memory_space<vmem>>, vector<1x16xf32>,
      %broadcast_in_dim3A_65 = arith.constant 0.000000e+00 : f32
      %broadcast_in_dim3A_66 = vector.broadcast %broadcast_in_dim3A_65 : f32 to vector<16xf32>
      %swap3A_67 = arith.index_cast %add3A_59 : i32 to index
      %swap3A_68 = arith.constant 16 : index
      %swap3A_69 = tpu.vector_load %arg11[%swap3A_67, %swap3A_68] {strides = array<i32>} : memref<128x128xf32, #tpu.memory_space<vmem>>, vector<1x16xf32>,
      %swap3A_70 = vector.shape_cast %swap3A_69 : vector<1x16xf32> to vector<16xf32>
      %swap3A_71 = vector.shape_cast %broadcast_in_dim3A_66 : vector<16xf32> to vector<1x16xf32>
      tpu.vector_store %arg11[%swap3A_67, %swap3A_68], %swap3A_71 {strides = array<i32>} : memref<128x128xf32, #tpu.memory_space<vmem>>, vector<1x16xf32>,
      %broadcast_in_dim3A_72 = arith.constant 0.000000e+00 : f32
      %broadcast_in_dim3A_73 = vector.broadcast %broadcast_in_dim3A_72 : f32 to vector<16xf32>
      %swap3A_74 = arith.index_cast %add3A_59 : i32 to index
      %swap3A_75 = arith.constant 32 : index
      %swap3A_76 = tpu.vector_load %arg11[%swap3A_74, %swap3A_75] {strides = array<i32>} : memref<128x128xf32, #tpu.memory_space<vmem>>, vector<1x16xf32>,
      %swap3A_77 = vector.shape_cast %swap3A_76 : vector<1x16xf32> to vector<16xf32>
      %swap3A_78 = vector.shape_cast %broadcast_in_dim3A_73 : vector<16xf32> to vector<1x16xf32>
      tpu.vector_store %arg11[%swap3A_74, %swap3A_75], %swap3A_78 {strides = array<i32>} : memref<128x128xf32, #tpu.memory_space<vmem>>, vector<1x16xf32>,
      %broadcast_in_dim3A_79 = arith.constant 0.000000e+00 : f32
      %broadcast_in_dim3A_80 = vector.broadcast %broadcast_in_dim3A_79 : f32 to vector<16xf32>
      %swap3A_81 = arith.index_cast %add3A_59 : i32 to index
      %swap3A_82 = arith.constant 48 : index
      %swap3A_83 = tpu.vector_load %arg11[%swap3A_81, %swap3A_82] {strides = array<i32>} : memref<128x128xf32, #tpu.memory_space<vmem>>, vector<1x16xf32>,
      %swap3A_84 = vector.shape_cast %swap3A_83 : vector<1x16xf32> to vector<16xf32>
      %swap3A_85 = vector.shape_cast %broadcast_in_dim3A_80 : vector<16xf32> to vector<1x16xf32>
      tpu.vector_store %arg11[%swap3A_81, %swap3A_82], %swap3A_85 {strides = array<i32>} : memref<128x128xf32, #tpu.memory_space<vmem>>, vector<1x16xf32>,
      %broadcast_in_dim3A_86 = arith.constant 0.000000e+00 : f32
      %broadcast_in_dim3A_87 = vector.broadcast %broadcast_in_dim3A_86 : f32 to vector<16xf32>
      %swap3A_88 = arith.index_cast %add3A_59 : i32 to index
      %swap3A_89 = arith.constant 64 : index
      %swap3A_90 = tpu.vector_load %arg11[%swap3A_88, %swap3A_89] {strides = array<i32>} : memref<128x128xf32, #tpu.memory_space<vmem>>, vector<1x16xf32>,
      %swap3A_91 = vector.shape_cast %swap3A_90 : vector<1x16xf32> to vector<16xf32>
      %swap3A_92 = vector.shape_cast %broadcast_in_dim3A_87 : vector<16xf32> to vector<1x16xf32>
      tpu.vector_store %arg11[%swap3A_88, %swap3A_89], %swap3A_92 {strides = array<i32>} : memref<128x128xf32, #tpu.memory_space<vmem>>, vector<1x16xf32>,
      %broadcast_in_dim3A_93 = arith.constant 0.000000e+00 : f32
      %broadcast_in_dim3A_94 = vector.broadcast %broadcast_in_dim3A_93 : f32 to vector<16xf32>
      %swap3A_95 = arith.index_cast %add3A_59 : i32 to index
      %swap3A_96 = arith.constant 80 : index
      %swap3A_97 = tpu.vector_load %arg11[%swap3A_95, %swap3A_96] {strides = array<i32>} : memref<128x128xf32, #tpu.memory_space<vmem>>, vector<1x16xf32>,
      %swap3A_98 = vector.shape_cast %swap3A_97 : vector<1x16xf32> to vector<16xf32>
      %swap3A_99 = vector.shape_cast %broadcast_in_dim3A_94 : vector<16xf32> to vector<1x16xf32>
      tpu.vector_store %arg11[%swap3A_95, %swap3A_96], %swap3A_99 {strides = array<i32>} : memref<128x128xf32, #tpu.memory_space<vmem>>, vector<1x16xf32>,
      %broadcast_in_dim3A_100 = arith.constant 0.000000e+00 : f32
      %broadcast_in_dim3A_101 = vector.broadcast %broadcast_in_dim3A_100 : f32 to vector<16xf32>
      %swap3A_102 = arith.index_cast %add3A_59 : i32 to index
      %swap3A_103 = arith.constant 96 : index
      %swap3A_104 = tpu.vector_load %arg11[%swap3A_102, %swap3A_103] {strides = array<i32>} : memref<128x128xf32, #tpu.memory_space<vmem>>, vector<1x16xf32>,
      %swap3A_105 = vector.shape_cast %swap3A_104 : vector<1x16xf32> to vector<16xf32>
      %swap3A_106 = vector.shape_cast %broadcast_in_dim3A_101 : vector<16xf32> to vector<1x16xf32>
      tpu.vector_store %arg11[%swap3A_102, %swap3A_103], %swap3A_106 {strides = array<i32>} : memref<128x128xf32, #tpu.memory_space<vmem>>, vector<1x16xf32>,
      %broadcast_in_dim3A_107 = arith.constant 0.000000e+00 : f32
      %broadcast_in_dim3A_108 = vector.broadcast %broadcast_in_dim3A_107 : f32 to vector<16xf32>
      %swap3A_109 = arith.index_cast %add3A_59 : i32 to index
      %swap3A_110 = arith.constant 112 : index
      %swap3A_111 = tpu.vector_load %arg11[%swap3A_109, %swap3A_110] {strides = array<i32>} : memref<128x128xf32, #tpu.memory_space<vmem>>, vector<1x16xf32>,
      %swap3A_112 = vector.shape_cast %swap3A_111 : vector<1x16xf32> to vector<16xf32>
      %swap3A_113 = vector.shape_cast %broadcast_in_dim3A_108 : vector<16xf32> to vector<1x16xf32>
      tpu.vector_store %arg11[%swap3A_109, %swap3A_110], %swap3A_113 {strides = array<i32>} : memref<128x128xf32, #tpu.memory_space<vmem>>, vector<1x16xf32>,
    }
    %scan3A_5 = arith.constant 128 : i32
    %mul3A = arith.constant 640 : i32
    %mul3A_6 = arith.muli %arg1, %mul3A : i32
    %add3A = arith.constant 0 : i32
    %add3A_7 = arith.addi %mul3A_6, %add3A : i32
    "tpu.region"() ({
      %run_scoped3A = tpu.sem_alloc : memref<!tpu.dma_semaphore, #tpu.memory_space<semaphore_mem>>
      %dma_start3A = arith.constant 0 : i32
      %dma_start3A_55 = tpu.memref_slice %arg14[%add3A_7, %dma_start3A] : memref<10240x128xf32, #tpu.memory_space<vmem_shared>> -> memref<128x128xf32, #tpu.memory_space<vmem_shared>>
      %dma_start3A_56 = arith.constant 0 : i32
      %dma_start3A_57 = tpu.memref_slice %arg14[%add3A_7, %dma_start3A_56] : memref<10240x128xf32, #tpu.memory_space<vmem_shared>> -> memref<128x128xf32, #tpu.memory_space<vmem_shared>>
      tpu.enqueue_dma source(%arg11 : memref<128x128xf32, #tpu.memory_space<vmem>>) target(%dma_start3A_57 : memref<128x128xf32, #tpu.memory_space<vmem_shared>>) target_semaphore(%run_scoped3A : memref<!tpu.dma_semaphore, #tpu.memory_space<semaphore_mem>>)
      %dma_wait3A = arith.constant 0 : i32
      %dma_wait3A_58 = tpu.memref_slice %arg14[%add3A_7, %dma_wait3A] : memref<10240x128xf32, #tpu.memory_space<vmem_shared>> -> memref<128x128xf32, #tpu.memory_space<vmem_shared>>
      %dma_wait3A_59 = arith.constant 0 : i32
      %dma_wait3A_60 = tpu.memref_slice %arg14[%add3A_7, %dma_wait3A_59] : memref<10240x128xf32, #tpu.memory_space<vmem_shared>> -> memref<128x128xf32, #tpu.memory_space<vmem_shared>>
      tpu.wait_dma2 semaphore(%run_scoped3A : memref<!tpu.dma_semaphore, #tpu.memory_space<semaphore_mem>>) src(%arg11 : memref<128x128xf32, #tpu.memory_space<vmem>>) dst(%dma_wait3A_60 : memref<128x128xf32, #tpu.memory_space<vmem_shared>>)
      tpu.yield
    }) : () -> ()
    %mul3A_8 = arith.constant 640 : i32
    %mul3A_9 = arith.muli %arg1, %mul3A_8 : i32
    %add3A_10 = arith.constant 128 : i32
    %add3A_11 = arith.addi %mul3A_9, %add3A_10 : i32
    "tpu.region"() ({
      %run_scoped3A = tpu.sem_alloc : memref<!tpu.dma_semaphore, #tpu.memory_space<semaphore_mem>>
      %dma_start3A = arith.constant 0 : i32
      %dma_start3A_55 = tpu.memref_slice %arg14[%add3A_11, %dma_start3A] : memref<10240x128xf32, #tpu.memory_space<vmem_shared>> -> memref<128x128xf32, #tpu.memory_space<vmem_shared>>
      %dma_start3A_56 = arith.constant 0 : i32
      %dma_start3A_57 = tpu.memref_slice %arg14[%add3A_11, %dma_start3A_56] : memref<10240x128xf32, #tpu.memory_space<vmem_shared>> -> memref<128x128xf32, #tpu.memory_space<vmem_shared>>
      tpu.enqueue_dma source(%arg11 : memref<128x128xf32, #tpu.memory_space<vmem>>) target(%dma_start3A_57 : memref<128x128xf32, #tpu.memory_space<vmem_shared>>) target_semaphore(%run_scoped3A : memref<!tpu.dma_semaphore, #tpu.memory_space<semaphore_mem>>)
      %dma_wait3A = arith.constant 0 : i32
      %dma_wait3A_58 = tpu.memref_slice %arg14[%add3A_11, %dma_wait3A] : memref<10240x128xf32, #tpu.memory_space<vmem_shared>> -> memref<128x128xf32, #tpu.memory_space<vmem_shared>>
      %dma_wait3A_59 = arith.constant 0 : i32
      %dma_wait3A_60 = tpu.memref_slice %arg14[%add3A_11, %dma_wait3A_59] : memref<10240x128xf32, #tpu.memory_space<vmem_shared>> -> memref<128x128xf32, #tpu.memory_space<vmem_shared>>
      tpu.wait_dma2 semaphore(%run_scoped3A : memref<!tpu.dma_semaphore, #tpu.memory_space<semaphore_mem>>) src(%arg11 : memref<128x128xf32, #tpu.memory_space<vmem>>) dst(%dma_wait3A_60 : memref<128x128xf32, #tpu.memory_space<vmem_shared>>)
      tpu.yield
    }) : () -> ()
    %mul3A_12 = arith.constant 640 : i32
    %mul3A_13 = arith.muli %arg1, %mul3A_12 : i32
    %add3A_14 = arith.constant 256 : i32
    %add3A_15 = arith.addi %mul3A_13, %add3A_14 : i32
    "tpu.region"() ({
      %run_scoped3A = tpu.sem_alloc : memref<!tpu.dma_semaphore, #tpu.memory_space<semaphore_mem>>
      %dma_start3A = arith.constant 0 : i32
      %dma_start3A_55 = tpu.memref_slice %arg14[%add3A_15, %dma_start3A] : memref<10240x128xf32, #tpu.memory_space<vmem_shared>> -> memref<128x128xf32, #tpu.memory_space<vmem_shared>>
      %dma_start3A_56 = arith.constant 0 : i32
      %dma_start3A_57 = tpu.memref_slice %arg14[%add3A_15, %dma_start3A_56] : memref<10240x128xf32, #tpu.memory_space<vmem_shared>> -> memref<128x128xf32, #tpu.memory_space<vmem_shared>>
      tpu.enqueue_dma source(%arg11 : memref<128x128xf32, #tpu.memory_space<vmem>>) target(%dma_start3A_57 : memref<128x128xf32, #tpu.memory_space<vmem_shared>>) target_semaphore(%run_scoped3A : memref<!tpu.dma_semaphore, #tpu.memory_space<semaphore_mem>>)
      %dma_wait3A = arith.constant 0 : i32
      %dma_wait3A_58 = tpu.memref_slice %arg14[%add3A_15, %dma_wait3A] : memref<10240x128xf32, #tpu.memory_space<vmem_shared>> -> memref<128x128xf32, #tpu.memory_space<vmem_shared>>
      %dma_wait3A_59 = arith.constant 0 : i32
      %dma_wait3A_60 = tpu.memref_slice %arg14[%add3A_15, %dma_wait3A_59] : memref<10240x128xf32, #tpu.memory_space<vmem_shared>> -> memref<128x128xf32, #tpu.memory_space<vmem_shared>>
      tpu.wait_dma2 semaphore(%run_scoped3A : memref<!tpu.dma_semaphore, #tpu.memory_space<semaphore_mem>>) src(%arg11 : memref<128x128xf32, #tpu.memory_space<vmem>>) dst(%dma_wait3A_60 : memref<128x128xf32, #tpu.memory_space<vmem_shared>>)
      tpu.yield
    }) : () -> ()
    %mul3A_16 = arith.constant 640 : i32
    %mul3A_17 = arith.muli %arg1, %mul3A_16 : i32
    %add3A_18 = arith.constant 384 : i32
    %add3A_19 = arith.addi %mul3A_17, %add3A_18 : i32
    "tpu.region"() ({
      %run_scoped3A = tpu.sem_alloc : memref<!tpu.dma_semaphore, #tpu.memory_space<semaphore_mem>>
      %dma_start3A = arith.constant 0 : i32
      %dma_start3A_55 = tpu.memref_slice %arg14[%add3A_19, %dma_start3A] : memref<10240x128xf32, #tpu.memory_space<vmem_shared>> -> memref<128x128xf32, #tpu.memory_space<vmem_shared>>
      %dma_start3A_56 = arith.constant 0 : i32
      %dma_start3A_57 = tpu.memref_slice %arg14[%add3A_19, %dma_start3A_56] : memref<10240x128xf32, #tpu.memory_space<vmem_shared>> -> memref<128x128xf32, #tpu.memory_space<vmem_shared>>
      tpu.enqueue_dma source(%arg11 : memref<128x128xf32, #tpu.memory_space<vmem>>) target(%dma_start3A_57 : memref<128x128xf32, #tpu.memory_space<vmem_shared>>) target_semaphore(%run_scoped3A : memref<!tpu.dma_semaphore, #tpu.memory_space<semaphore_mem>>)
      %dma_wait3A = arith.constant 0 : i32
      %dma_wait3A_58 = tpu.memref_slice %arg14[%add3A_19, %dma_wait3A] : memref<10240x128xf32, #tpu.memory_space<vmem_shared>> -> memref<128x128xf32, #tpu.memory_space<vmem_shared>>
      %dma_wait3A_59 = arith.constant 0 : i32
      %dma_wait3A_60 = tpu.memref_slice %arg14[%add3A_19, %dma_wait3A_59] : memref<10240x128xf32, #tpu.memory_space<vmem_shared>> -> memref<128x128xf32, #tpu.memory_space<vmem_shared>>
      tpu.wait_dma2 semaphore(%run_scoped3A : memref<!tpu.dma_semaphore, #tpu.memory_space<semaphore_mem>>) src(%arg11 : memref<128x128xf32, #tpu.memory_space<vmem>>) dst(%dma_wait3A_60 : memref<128x128xf32, #tpu.memory_space<vmem_shared>>)
      tpu.yield
    }) : () -> ()
    %mul3A_20 = arith.constant 640 : i32
    %mul3A_21 = arith.muli %arg1, %mul3A_20 : i32
    %add3A_22 = arith.constant 512 : i32
    %add3A_23 = arith.addi %mul3A_21, %add3A_22 : i32
    "tpu.region"() ({
      %run_scoped3A = tpu.sem_alloc : memref<!tpu.dma_semaphore, #tpu.memory_space<semaphore_mem>>
      %dma_start3A = arith.constant 0 : i32
      %dma_start3A_55 = tpu.memref_slice %arg14[%add3A_23, %dma_start3A] : memref<10240x128xf32, #tpu.memory_space<vmem_shared>> -> memref<128x128xf32, #tpu.memory_space<vmem_shared>>
      %dma_start3A_56 = arith.constant 0 : i32
      %dma_start3A_57 = tpu.memref_slice %arg14[%add3A_23, %dma_start3A_56] : memref<10240x128xf32, #tpu.memory_space<vmem_shared>> -> memref<128x128xf32, #tpu.memory_space<vmem_shared>>
      tpu.enqueue_dma source(%arg11 : memref<128x128xf32, #tpu.memory_space<vmem>>) target(%dma_start3A_57 : memref<128x128xf32, #tpu.memory_space<vmem_shared>>) target_semaphore(%run_scoped3A : memref<!tpu.dma_semaphore, #tpu.memory_space<semaphore_mem>>)
      %dma_wait3A = arith.constant 0 : i32
      %dma_wait3A_58 = tpu.memref_slice %arg14[%add3A_23, %dma_wait3A] : memref<10240x128xf32, #tpu.memory_space<vmem_shared>> -> memref<128x128xf32, #tpu.memory_space<vmem_shared>>
      %dma_wait3A_59 = arith.constant 0 : i32
      %dma_wait3A_60 = tpu.memref_slice %arg14[%add3A_23, %dma_wait3A_59] : memref<10240x128xf32, #tpu.memory_space<vmem_shared>> -> memref<128x128xf32, #tpu.memory_space<vmem_shared>>
      tpu.wait_dma2 semaphore(%run_scoped3A : memref<!tpu.dma_semaphore, #tpu.memory_space<semaphore_mem>>) src(%arg11 : memref<128x128xf32, #tpu.memory_space<vmem>>) dst(%dma_wait3A_60 : memref<128x128xf32, #tpu.memory_space<vmem_shared>>)
      tpu.yield
    }) : () -> ()
    %barrier3A = arith.constant 0 : index
    tpu.barrier barrier_id(%barrier3A)
    %mul3A_24 = arith.constant 16 : i32
    %mul3A_25 = arith.muli %arg0, %mul3A_24 : i32
    %add3A_26 = arith.addi %mul3A_25, %arg1 : i32
    %mul3A_27 = arith.constant 10112 : i32
    %mul3A_28 = arith.muli %add3A_26, %mul3A_27 : i32
    %scan3A_29 = arith.constant 0 : i32
    %scan3A_30 = arith.constant 79 : i32
    %scan3A_31 = arith.addi %scan3A_29, %scan3A_30 : i32
    %scan3A_32 = arith.constant 1 : i32
    scf.for %scan3A_55 = %scan3A_29 to %scan3A_31 step %scan3A_32  : i32 {
      %mul3A_56 = arith.constant 1 : i32
      %mul3A_57 = arith.muli %scan3A_55, %mul3A_56 : i32
      %add3A_58 = arith.constant 0 : i32
      %add3A_59 = arith.addi %add3A_58, %mul3A_57 : i32
      %mul3A_60 = arith.constant 128 : i32
      %mul3A_61 = arith.muli %add3A_59, %mul3A_60 : i32
      %add3A_62 = arith.addi %mul3A_28, %mul3A_61 : i32
      "tpu.region"() ({
        %run_scoped3A_84 = tpu.sem_alloc : memref<!tpu.dma_semaphore, #tpu.memory_space<semaphore_mem>>
        %dma_start3A_85 = tpu.memref_slice %arg3[%add3A_62] : memref<323584xi32, #tpu.memory_space<hbm>> -> memref<128xi32, #tpu.memory_space<hbm>>
        %dma_start3A_86 = tpu.memref_slice %arg3[%add3A_62] : memref<323584xi32, #tpu.memory_space<hbm>> -> memref<128xi32, #tpu.memory_space<hbm>>
        tpu.enqueue_dma source(%dma_start3A_86 : memref<128xi32, #tpu.memory_space<hbm>>) target(%arg8 : memref<128xi32, #tpu.memory_space<vmem>>) target_semaphore(%run_scoped3A_84 : memref<!tpu.dma_semaphore, #tpu.memory_space<semaphore_mem>>)
        %dma_wait3A_87 = tpu.memref_slice %arg3[%add3A_62] : memref<323584xi32, #tpu.memory_space<hbm>> -> memref<128xi32, #tpu.memory_space<hbm>>
        %dma_wait3A_88 = tpu.memref_slice %arg3[%add3A_62] : memref<323584xi32, #tpu.memory_space<hbm>> -> memref<128xi32, #tpu.memory_space<hbm>>
        tpu.wait_dma2 semaphore(%run_scoped3A_84 : memref<!tpu.dma_semaphore, #tpu.memory_space<semaphore_mem>>) src(%dma_wait3A_88 : memref<128xi32, #tpu.memory_space<hbm>>) dst(%arg8 : memref<128xi32, #tpu.memory_space<vmem>>)
        tpu.yield
      }) : () -> ()
      "tpu.region"() ({
        %run_scoped3A_84 = tpu.sem_alloc : memref<!tpu.dma_semaphore, #tpu.memory_space<semaphore_mem>>
        %dma_start3A_85 = tpu.memref_slice %arg5[%add3A_62] : memref<323584xi32, #tpu.memory_space<hbm>> -> memref<128xi32, #tpu.memory_space<hbm>>
        %dma_start3A_86 = tpu.memref_slice %arg5[%add3A_62] : memref<323584xi32, #tpu.memory_space<hbm>> -> memref<128xi32, #tpu.memory_space<hbm>>
        tpu.enqueue_dma source(%dma_start3A_86 : memref<128xi32, #tpu.memory_space<hbm>>) target(%arg9 : memref<128xi32, #tpu.memory_space<vmem>>) target_semaphore(%run_scoped3A_84 : memref<!tpu.dma_semaphore, #tpu.memory_space<semaphore_mem>>)
        %dma_wait3A_87 = tpu.memref_slice %arg5[%add3A_62] : memref<323584xi32, #tpu.memory_space<hbm>> -> memref<128xi32, #tpu.memory_space<hbm>>
        %dma_wait3A_88 = tpu.memref_slice %arg5[%add3A_62] : memref<323584xi32, #tpu.memory_space<hbm>> -> memref<128xi32, #tpu.memory_space<hbm>>
        tpu.wait_dma2 semaphore(%run_scoped3A_84 : memref<!tpu.dma_semaphore, #tpu.memory_space<semaphore_mem>>) src(%dma_wait3A_88 : memref<128xi32, #tpu.memory_space<hbm>>) dst(%arg9 : memref<128xi32, #tpu.memory_space<vmem>>)
        tpu.yield
      }) : () -> ()
      %mul3A_63 = arith.constant 16 : i32
      %mul3A_64 = arith.muli %arg0, %mul3A_63 : i32
      %add3A_65 = arith.addi %mul3A_64, %arg1 : i32
      %mul3A_66 = arith.constant 79 : i32
      %mul3A_67 = arith.muli %add3A_65, %mul3A_66 : i32
      %add3A_68 = arith.addi %mul3A_67, %add3A_59 : i32
      "tpu.region"() ({
        %run_scoped3A_84 = tpu.sem_alloc : memref<!tpu.dma_semaphore, #tpu.memory_space<semaphore_mem>>
        %dma_start3A_85 = arith.constant 0 : i32
        %dma_start3A_86 = tpu.memref_slice %arg4[%add3A_68, %dma_start3A_85] : memref<2528x128xi32, #tpu.memory_space<hbm>> -> memref<1x128xi32, #tpu.memory_space<hbm>>
        %dma_start3A_87 = arith.constant 0 : i32
        %dma_start3A_88 = tpu.memref_slice %arg4[%add3A_68, %dma_start3A_87] : memref<2528x128xi32, #tpu.memory_space<hbm>> -> memref<1x128xi32, #tpu.memory_space<hbm>>
        tpu.enqueue_dma source(%dma_start3A_88 : memref<1x128xi32, #tpu.memory_space<hbm>>) target(%arg10 : memref<1x128xi32, #tpu.memory_space<vmem>>) target_semaphore(%run_scoped3A_84 : memref<!tpu.dma_semaphore, #tpu.memory_space<semaphore_mem>>)
        %dma_wait3A_89 = arith.constant 0 : i32
        %dma_wait3A_90 = tpu.memref_slice %arg4[%add3A_68, %dma_wait3A_89] : memref<2528x128xi32, #tpu.memory_space<hbm>> -> memref<1x128xi32, #tpu.memory_space<hbm>>
        %dma_wait3A_91 = arith.constant 0 : i32
        %dma_wait3A_92 = tpu.memref_slice %arg4[%add3A_68, %dma_wait3A_91] : memref<2528x128xi32, #tpu.memory_space<hbm>> -> memref<1x128xi32, #tpu.memory_space<hbm>>
        tpu.wait_dma2 semaphore(%run_scoped3A_84 : memref<!tpu.dma_semaphore, #tpu.memory_space<semaphore_mem>>) src(%dma_wait3A_92 : memref<1x128xi32, #tpu.memory_space<hbm>>) dst(%arg10 : memref<1x128xi32, #tpu.memory_space<vmem>>)
        tpu.yield
      }) : () -> ()
      %dma_start3A = arith.constant 0 : i32
      %dma_start3A_69 = arith.constant 0 : i32
      %dma_start3A_70 = tpu.memref_slice %arg2[%dma_start3A, %dma_start3A_69] : memref<10000x128xf32, #tpu.memory_space<hbm>> -> memref<10000x128xf32, #tpu.memory_space<hbm>>
      tpu.enqueue_indirect_dma source(%dma_start3A_70 : memref<10000x128xf32, #tpu.memory_space<hbm>>) target(%arg11 : memref<128x128xf32, #tpu.memory_space<vmem>>) offsets(%arg8 : memref<128xi32, #tpu.memory_space<vmem>>) semaphore(%arg15 : memref<!tpu.dma_semaphore, #tpu.memory_space<semaphore_mem>>)
      %dma_start3A_71 = arith.constant 0 : i32
      %dma_start3A_72 = arith.constant 0 : i32
      %dma_start3A_73 = tpu.memref_slice %arg13[%dma_start3A_71, %dma_start3A_72] : memref<100x128xf32, #tpu.memory_space<vmem_shared>> -> memref<100x128xf32, #tpu.memory_space<vmem_shared>>
      tpu.enqueue_indirect_dma source(%dma_start3A_73 : memref<100x128xf32, #tpu.memory_space<vmem_shared>>) target(%arg12 : memref<128x128xf32, #tpu.memory_space<vmem>>) offsets(%arg9 : memref<128xi32, #tpu.memory_space<vmem>>) semaphore(%arg16 : memref<!tpu.dma_semaphore, #tpu.memory_space<semaphore_mem>>)
      %dma_wait3A = arith.constant 0 : i32
      %dma_wait3A_74 = arith.constant 0 : i32
      %dma_wait3A_75 = tpu.memref_slice %arg2[%dma_wait3A, %dma_wait3A_74] : memref<10000x128xf32, #tpu.memory_space<hbm>> -> memref<10000x128xf32, #tpu.memory_space<hbm>>
      tpu.wait_indirect_dma semaphore(%arg15 : memref<!tpu.dma_semaphore, #tpu.memory_space<semaphore_mem>>) src(%dma_wait3A_75 : memref<10000x128xf32, #tpu.memory_space<hbm>>) dst(%arg11 : memref<128x128xf32, #tpu.memory_space<vmem>>)
      %dma_wait3A_76 = arith.constant 0 : i32
      %dma_wait3A_77 = arith.constant 0 : i32
      %dma_wait3A_78 = tpu.memref_slice %arg13[%dma_wait3A_76, %dma_wait3A_77] : memref<100x128xf32, #tpu.memory_space<vmem_shared>> -> memref<100x128xf32, #tpu.memory_space<vmem_shared>>
      tpu.wait_indirect_dma semaphore(%arg16 : memref<!tpu.dma_semaphore, #tpu.memory_space<semaphore_mem>>) src(%dma_wait3A_78 : memref<100x128xf32, #tpu.memory_space<vmem_shared>>) dst(%arg12 : memref<128x128xf32, #tpu.memory_space<vmem>>)
      %scan3A_79 = arith.constant 0 : i32
      %scan3A_80 = arith.constant 128 : i32
      %scan3A_81 = arith.addi %scan3A_79, %scan3A_80 : i32
      %scan3A_82 = arith.constant 1 : i32
      scf.for %scan3A_84 = %scan3A_79 to %scan3A_81 step %scan3A_82  : i32 {
        %mul3A_85 = arith.constant 1 : i32
        %mul3A_86 = arith.muli %scan3A_84, %mul3A_85 : i32
        %add3A_87 = arith.constant 0 : i32
        %add3A_88 = arith.addi %add3A_87, %mul3A_86 : i32
        %get3A = arith.index_cast %add3A_88 : i32 to index
        %get3A_89 = arith.constant 0 : index
        %get3A_90 = tpu.vector_load %arg11[%get3A, %get3A_89] {strides = array<i32>} : memref<128x128xf32, #tpu.memory_space<vmem>>, vector<1x16xf32>,
        %get3A_91 = vector.shape_cast %get3A_90 : vector<1x16xf32> to vector<16xf32>
        %get3A_92 = arith.index_cast %add3A_88 : i32 to index
        %get3A_93 = arith.constant 0 : index
        %get3A_94 = tpu.vector_load %arg12[%get3A_92, %get3A_93] {strides = array<i32>} : memref<128x128xf32, #tpu.memory_space<vmem>>, vector<1x16xf32>,
        %get3A_95 = vector.shape_cast %get3A_94 : vector<1x16xf32> to vector<16xf32>
        %add3A_96 = arith.addf %get3A_91, %get3A_95 : vector<16xf32>
        %max3A = arith.constant 0.000000e+00 : f32
        %max3A_97 = vector.broadcast %max3A : f32 to vector<16xf32>
        %max3A_98 = arith.maximumf %add3A_96, %max3A_97 : vector<16xf32>
        %swap3A = arith.index_cast %add3A_88 : i32 to index
        %swap3A_99 = arith.constant 0 : index
        %swap3A_100 = tpu.vector_load %arg11[%swap3A, %swap3A_99] {strides = array<i32>} : memref<128x128xf32, #tpu.memory_space<vmem>>, vector<1x16xf32>,
        %swap3A_101 = vector.shape_cast %swap3A_100 : vector<1x16xf32> to vector<16xf32>
        %swap3A_102 = vector.shape_cast %max3A_98 : vector<16xf32> to vector<1x16xf32>
        tpu.vector_store %arg11[%swap3A, %swap3A_99], %swap3A_102 {strides = array<i32>} : memref<128x128xf32, #tpu.memory_space<vmem>>, vector<1x16xf32>,
        %get3A_103 = arith.index_cast %add3A_88 : i32 to index
        %get3A_104 = arith.constant 16 : index
        %get3A_105 = tpu.vector_load %arg11[%get3A_103, %get3A_104] {strides = array<i32>} : memref<128x128xf32, #tpu.memory_space<vmem>>, vector<1x16xf32>,
        %get3A_106 = vector.shape_cast %get3A_105 : vector<1x16xf32> to vector<16xf32>
        %get3A_107 = arith.index_cast %add3A_88 : i32 to index
        %get3A_108 = arith.constant 16 : index
        %get3A_109 = tpu.vector_load %arg12[%get3A_107, %get3A_108] {strides = array<i32>} : memref<128x128xf32, #tpu.memory_space<vmem>>, vector<1x16xf32>,
        %get3A_110 = vector.shape_cast %get3A_109 : vector<1x16xf32> to vector<16xf32>
        %add3A_111 = arith.addf %get3A_106, %get3A_110 : vector<16xf32>
        %max3A_112 = arith.constant 0.000000e+00 : f32
        %max3A_113 = vector.broadcast %max3A_112 : f32 to vector<16xf32>
        %max3A_114 = arith.maximumf %add3A_111, %max3A_113 : vector<16xf32>
        %swap3A_115 = arith.index_cast %add3A_88 : i32 to index
        %swap3A_116 = arith.constant 16 : index
        %swap3A_117 = tpu.vector_load %arg11[%swap3A_115, %swap3A_116] {strides = array<i32>} : memref<128x128xf32, #tpu.memory_space<vmem>>, vector<1x16xf32>,
        %swap3A_118 = vector.shape_cast %swap3A_117 : vector<1x16xf32> to vector<16xf32>
        %swap3A_119 = vector.shape_cast %max3A_114 : vector<16xf32> to vector<1x16xf32>
        tpu.vector_store %arg11[%swap3A_115, %swap3A_116], %swap3A_119 {strides = array<i32>} : memref<128x128xf32, #tpu.memory_space<vmem>>, vector<1x16xf32>,
        %get3A_120 = arith.index_cast %add3A_88 : i32 to index
        %get3A_121 = arith.constant 32 : index
        %get3A_122 = tpu.vector_load %arg11[%get3A_120, %get3A_121] {strides = array<i32>} : memref<128x128xf32, #tpu.memory_space<vmem>>, vector<1x16xf32>,
        %get3A_123 = vector.shape_cast %get3A_122 : vector<1x16xf32> to vector<16xf32>
        %get3A_124 = arith.index_cast %add3A_88 : i32 to index
        %get3A_125 = arith.constant 32 : index
        %get3A_126 = tpu.vector_load %arg12[%get3A_124, %get3A_125] {strides = array<i32>} : memref<128x128xf32, #tpu.memory_space<vmem>>, vector<1x16xf32>,
        %get3A_127 = vector.shape_cast %get3A_126 : vector<1x16xf32> to vector<16xf32>
        %add3A_128 = arith.addf %get3A_123, %get3A_127 : vector<16xf32>
        %max3A_129 = arith.constant 0.000000e+00 : f32
        %max3A_130 = vector.broadcast %max3A_129 : f32 to vector<16xf32>
        %max3A_131 = arith.maximumf %add3A_128, %max3A_130 : vector<16xf32>
        %swap3A_132 = arith.index_cast %add3A_88 : i32 to index
        %swap3A_133 = arith.constant 32 : index
        %swap3A_134 = tpu.vector_load %arg11[%swap3A_132, %swap3A_133] {strides = array<i32>} : memref<128x128xf32, #tpu.memory_space<vmem>>, vector<1x16xf32>,
        %swap3A_135 = vector.shape_cast %swap3A_134 : vector<1x16xf32> to vector<16xf32>
        %swap3A_136 = vector.shape_cast %max3A_131 : vector<16xf32> to vector<1x16xf32>
        tpu.vector_store %arg11[%swap3A_132, %swap3A_133], %swap3A_136 {strides = array<i32>} : memref<128x128xf32, #tpu.memory_space<vmem>>, vector<1x16xf32>,
        %get3A_137 = arith.index_cast %add3A_88 : i32 to index
        %get3A_138 = arith.constant 48 : index
        %get3A_139 = tpu.vector_load %arg11[%get3A_137, %get3A_138] {strides = array<i32>} : memref<128x128xf32, #tpu.memory_space<vmem>>, vector<1x16xf32>,
        %get3A_140 = vector.shape_cast %get3A_139 : vector<1x16xf32> to vector<16xf32>
        %get3A_141 = arith.index_cast %add3A_88 : i32 to index
        %get3A_142 = arith.constant 48 : index
        %get3A_143 = tpu.vector_load %arg12[%get3A_141, %get3A_142] {strides = array<i32>} : memref<128x128xf32, #tpu.memory_space<vmem>>, vector<1x16xf32>,
        %get3A_144 = vector.shape_cast %get3A_143 : vector<1x16xf32> to vector<16xf32>
        %add3A_145 = arith.addf %get3A_140, %get3A_144 : vector<16xf32>
        %max3A_146 = arith.constant 0.000000e+00 : f32
        %max3A_147 = vector.broadcast %max3A_146 : f32 to vector<16xf32>
        %max3A_148 = arith.maximumf %add3A_145, %max3A_147 : vector<16xf32>
        %swap3A_149 = arith.index_cast %add3A_88 : i32 to index
        %swap3A_150 = arith.constant 48 : index
        %swap3A_151 = tpu.vector_load %arg11[%swap3A_149, %swap3A_150] {strides = array<i32>} : memref<128x128xf32, #tpu.memory_space<vmem>>, vector<1x16xf32>,
        %swap3A_152 = vector.shape_cast %swap3A_151 : vector<1x16xf32> to vector<16xf32>
        %swap3A_153 = vector.shape_cast %max3A_148 : vector<16xf32> to vector<1x16xf32>
        tpu.vector_store %arg11[%swap3A_149, %swap3A_150], %swap3A_153 {strides = array<i32>} : memref<128x128xf32, #tpu.memory_space<vmem>>, vector<1x16xf32>,
        %get3A_154 = arith.index_cast %add3A_88 : i32 to index
        %get3A_155 = arith.constant 64 : index
        %get3A_156 = tpu.vector_load %arg11[%get3A_154, %get3A_155] {strides = array<i32>} : memref<128x128xf32, #tpu.memory_space<vmem>>, vector<1x16xf32>,
        %get3A_157 = vector.shape_cast %get3A_156 : vector<1x16xf32> to vector<16xf32>
        %get3A_158 = arith.index_cast %add3A_88 : i32 to index
        %get3A_159 = arith.constant 64 : index
        %get3A_160 = tpu.vector_load %arg12[%get3A_158, %get3A_159] {strides = array<i32>} : memref<128x128xf32, #tpu.memory_space<vmem>>, vector<1x16xf32>,
        %get3A_161 = vector.shape_cast %get3A_160 : vector<1x16xf32> to vector<16xf32>
        %add3A_162 = arith.addf %get3A_157, %get3A_161 : vector<16xf32>
        %max3A_163 = arith.constant 0.000000e+00 : f32
        %max3A_164 = vector.broadcast %max3A_163 : f32 to vector<16xf32>
        %max3A_165 = arith.maximumf %add3A_162, %max3A_164 : vector<16xf32>
        %swap3A_166 = arith.index_cast %add3A_88 : i32 to index
        %swap3A_167 = arith.constant 64 : index
        %swap3A_168 = tpu.vector_load %arg11[%swap3A_166, %swap3A_167] {strides = array<i32>} : memref<128x128xf32, #tpu.memory_space<vmem>>, vector<1x16xf32>,
        %swap3A_169 = vector.shape_cast %swap3A_168 : vector<1x16xf32> to vector<16xf32>
        %swap3A_170 = vector.shape_cast %max3A_165 : vector<16xf32> to vector<1x16xf32>
        tpu.vector_store %arg11[%swap3A_166, %swap3A_167], %swap3A_170 {strides = array<i32>} : memref<128x128xf32, #tpu.memory_space<vmem>>, vector<1x16xf32>,
        %get3A_171 = arith.index_cast %add3A_88 : i32 to index
        %get3A_172 = arith.constant 80 : index
        %get3A_173 = tpu.vector_load %arg11[%get3A_171, %get3A_172] {strides = array<i32>} : memref<128x128xf32, #tpu.memory_space<vmem>>, vector<1x16xf32>,
        %get3A_174 = vector.shape_cast %get3A_173 : vector<1x16xf32> to vector<16xf32>
        %get3A_175 = arith.index_cast %add3A_88 : i32 to index
        %get3A_176 = arith.constant 80 : index
        %get3A_177 = tpu.vector_load %arg12[%get3A_175, %get3A_176] {strides = array<i32>} : memref<128x128xf32, #tpu.memory_space<vmem>>, vector<1x16xf32>,
        %get3A_178 = vector.shape_cast %get3A_177 : vector<1x16xf32> to vector<16xf32>
        %add3A_179 = arith.addf %get3A_174, %get3A_178 : vector<16xf32>
        %max3A_180 = arith.constant 0.000000e+00 : f32
        %max3A_181 = vector.broadcast %max3A_180 : f32 to vector<16xf32>
        %max3A_182 = arith.maximumf %add3A_179, %max3A_181 : vector<16xf32>
        %swap3A_183 = arith.index_cast %add3A_88 : i32 to index
        %swap3A_184 = arith.constant 80 : index
        %swap3A_185 = tpu.vector_load %arg11[%swap3A_183, %swap3A_184] {strides = array<i32>} : memref<128x128xf32, #tpu.memory_space<vmem>>, vector<1x16xf32>,
        %swap3A_186 = vector.shape_cast %swap3A_185 : vector<1x16xf32> to vector<16xf32>
        %swap3A_187 = vector.shape_cast %max3A_182 : vector<16xf32> to vector<1x16xf32>
        tpu.vector_store %arg11[%swap3A_183, %swap3A_184], %swap3A_187 {strides = array<i32>} : memref<128x128xf32, #tpu.memory_space<vmem>>, vector<1x16xf32>,
        %get3A_188 = arith.index_cast %add3A_88 : i32 to index
        %get3A_189 = arith.constant 96 : index
        %get3A_190 = tpu.vector_load %arg11[%get3A_188, %get3A_189] {strides = array<i32>} : memref<128x128xf32, #tpu.memory_space<vmem>>, vector<1x16xf32>,
        %get3A_191 = vector.shape_cast %get3A_190 : vector<1x16xf32> to vector<16xf32>
        %get3A_192 = arith.index_cast %add3A_88 : i32 to index
        %get3A_193 = arith.constant 96 : index
        %get3A_194 = tpu.vector_load %arg12[%get3A_192, %get3A_193] {strides = array<i32>} : memref<128x128xf32, #tpu.memory_space<vmem>>, vector<1x16xf32>,
        %get3A_195 = vector.shape_cast %get3A_194 : vector<1x16xf32> to vector<16xf32>
        %add3A_196 = arith.addf %get3A_191, %get3A_195 : vector<16xf32>
        %max3A_197 = arith.constant 0.000000e+00 : f32
        %max3A_198 = vector.broadcast %max3A_197 : f32 to vector<16xf32>
        %max3A_199 = arith.maximumf %add3A_196, %max3A_198 : vector<16xf32>
        %swap3A_200 = arith.index_cast %add3A_88 : i32 to index
        %swap3A_201 = arith.constant 96 : index
        %swap3A_202 = tpu.vector_load %arg11[%swap3A_200, %swap3A_201] {strides = array<i32>} : memref<128x128xf32, #tpu.memory_space<vmem>>, vector<1x16xf32>,
        %swap3A_203 = vector.shape_cast %swap3A_202 : vector<1x16xf32> to vector<16xf32>
        %swap3A_204 = vector.shape_cast %max3A_199 : vector<16xf32> to vector<1x16xf32>
        tpu.vector_store %arg11[%swap3A_200, %swap3A_201], %swap3A_204 {strides = array<i32>} : memref<128x128xf32, #tpu.memory_space<vmem>>, vector<1x16xf32>,
        %get3A_205 = arith.index_cast %add3A_88 : i32 to index
        %get3A_206 = arith.constant 112 : index
        %get3A_207 = tpu.vector_load %arg11[%get3A_205, %get3A_206] {strides = array<i32>} : memref<128x128xf32, #tpu.memory_space<vmem>>, vector<1x16xf32>,
        %get3A_208 = vector.shape_cast %get3A_207 : vector<1x16xf32> to vector<16xf32>
        %get3A_209 = arith.index_cast %add3A_88 : i32 to index
        %get3A_210 = arith.constant 112 : index
        %get3A_211 = tpu.vector_load %arg12[%get3A_209, %get3A_210] {strides = array<i32>} : memref<128x128xf32, #tpu.memory_space<vmem>>, vector<1x16xf32>,
        %get3A_212 = vector.shape_cast %get3A_211 : vector<1x16xf32> to vector<16xf32>
        %add3A_213 = arith.addf %get3A_208, %get3A_212 : vector<16xf32>
        %max3A_214 = arith.constant 0.000000e+00 : f32
        %max3A_215 = vector.broadcast %max3A_214 : f32 to vector<16xf32>
        %max3A_216 = arith.maximumf %add3A_213, %max3A_215 : vector<16xf32>
        %swap3A_217 = arith.index_cast %add3A_88 : i32 to index
        %swap3A_218 = arith.constant 112 : index
        %swap3A_219 = tpu.vector_load %arg11[%swap3A_217, %swap3A_218] {strides = array<i32>} : memref<128x128xf32, #tpu.memory_space<vmem>>, vector<1x16xf32>,
        %swap3A_220 = vector.shape_cast %swap3A_219 : vector<1x16xf32> to vector<16xf32>
        %swap3A_221 = vector.shape_cast %max3A_216 : vector<16xf32> to vector<1x16xf32>
        tpu.vector_store %arg11[%swap3A_217, %swap3A_218], %swap3A_221 {strides = array<i32>} : memref<128x128xf32, #tpu.memory_space<vmem>>, vector<1x16xf32>,
      }
      %scan3A_83 = arith.constant 128 : i32
      %run_scoped3A = arith.constant 0 : i32
      "tpu.region"() ({
        %run_scoped3A_84 = tpu.sem_alloc : memref<!tpu.dma_semaphore, #tpu.memory_space<semaphore_mem>>
        %dma_start3A_85 = arith.constant 0 : i32
        %dma_start3A_86 = tpu.memref_slice %arg10[%run_scoped3A, %dma_start3A_85] : memref<1x128xi32, #tpu.memory_space<vmem>> -> memref<1x128xi32, #tpu.memory_space<vmem>>
        %dma_start3A_87 = tpu.memref_squeeze %dma_start3A_86 : memref<1x128xi32, #tpu.memory_space<vmem>> -> memref<128xi32, #tpu.memory_space<vmem>>
        %dma_start3A_88 = arith.constant 0 : i32
        %dma_start3A_89 = arith.constant 0 : i32
        %dma_start3A_90 = tpu.memref_slice %arg14[%dma_start3A_88, %dma_start3A_89] : memref<10240x128xf32, #tpu.memory_space<vmem_shared>> -> memref<10240x128xf32, #tpu.memory_space<vmem_shared>>
        tpu.enqueue_indirect_dma source(%arg11 : memref<128x128xf32, #tpu.memory_space<vmem>>) target(%dma_start3A_90 : memref<10240x128xf32, #tpu.memory_space<vmem_shared>>) offsets(%dma_start3A_87 : memref<128xi32, #tpu.memory_space<vmem>>) semaphore(%run_scoped3A_84 : memref<!tpu.dma_semaphore, #tpu.memory_space<semaphore_mem>>) {add = true}
        %dma_wait3A_91 = arith.constant 0 : i32
        %dma_wait3A_92 = tpu.memref_slice %arg10[%run_scoped3A, %dma_wait3A_91] : memref<1x128xi32, #tpu.memory_space<vmem>> -> memref<1x128xi32, #tpu.memory_space<vmem>>
        %dma_wait3A_93 = tpu.memref_squeeze %dma_wait3A_92 : memref<1x128xi32, #tpu.memory_space<vmem>> -> memref<128xi32, #tpu.memory_space<vmem>>
        %dma_wait3A_94 = arith.constant 0 : i32
        %dma_wait3A_95 = arith.constant 0 : i32
        %dma_wait3A_96 = tpu.memref_slice %arg14[%dma_wait3A_94, %dma_wait3A_95] : memref<10240x128xf32, #tpu.memory_space<vmem_shared>> -> memref<10240x128xf32, #tpu.memory_space<vmem_shared>>
        tpu.wait_indirect_dma semaphore(%run_scoped3A_84 : memref<!tpu.dma_semaphore, #tpu.memory_space<semaphore_mem>>) src(%arg11 : memref<128x128xf32, #tpu.memory_space<vmem>>) dst(%dma_wait3A_96 : memref<10240x128xf32, #tpu.memory_space<vmem_shared>>)
        tpu.yield
      }) : () -> ()
    }
    %scan3A_33 = arith.constant 79 : i32
    %barrier3A_34 = arith.constant 0 : index
    tpu.barrier barrier_id(%barrier3A_34)
    %mul3A_35 = arith.constant 640 : i32
    %mul3A_36 = arith.muli %arg1, %mul3A_35 : i32
    %add3A_37 = arith.constant 0 : i32
    %add3A_38 = arith.addi %mul3A_36, %add3A_37 : i32
    "tpu.region"() ({
      %run_scoped3A = tpu.sem_alloc : memref<!tpu.dma_semaphore, #tpu.memory_space<semaphore_mem>>
      %dma_start3A = arith.constant 0 : i32
      %dma_start3A_55 = tpu.memref_slice %arg14[%add3A_38, %dma_start3A] : memref<10240x128xf32, #tpu.memory_space<vmem_shared>> -> memref<128x128xf32, #tpu.memory_space<vmem_shared>>
      %dma_start3A_56 = arith.constant 0 : i32
      %dma_start3A_57 = tpu.memref_slice %arg14[%add3A_38, %dma_start3A_56] : memref<10240x128xf32, #tpu.memory_space<vmem_shared>> -> memref<128x128xf32, #tpu.memory_space<vmem_shared>>
      tpu.enqueue_dma source(%dma_start3A_57 : memref<128x128xf32, #tpu.memory_space<vmem_shared>>) target(%arg11 : memref<128x128xf32, #tpu.memory_space<vmem>>) target_semaphore(%run_scoped3A : memref<!tpu.dma_semaphore, #tpu.memory_space<semaphore_mem>>)
      %dma_wait3A = arith.constant 0 : i32
      %dma_wait3A_58 = tpu.memref_slice %arg14[%add3A_38, %dma_wait3A] : memref<10240x128xf32, #tpu.memory_space<vmem_shared>> -> memref<128x128xf32, #tpu.memory_space<vmem_shared>>
      %dma_wait3A_59 = arith.constant 0 : i32
      %dma_wait3A_60 = tpu.memref_slice %arg14[%add3A_38, %dma_wait3A_59] : memref<10240x128xf32, #tpu.memory_space<vmem_shared>> -> memref<128x128xf32, #tpu.memory_space<vmem_shared>>
      tpu.wait_dma2 semaphore(%run_scoped3A : memref<!tpu.dma_semaphore, #tpu.memory_space<semaphore_mem>>) src(%dma_wait3A_60 : memref<128x128xf32, #tpu.memory_space<vmem_shared>>) dst(%arg11 : memref<128x128xf32, #tpu.memory_space<vmem>>)
      tpu.yield
    }) : () -> ()
    "tpu.region"() ({
      %run_scoped3A = tpu.sem_alloc : memref<!tpu.dma_semaphore, #tpu.memory_space<semaphore_mem>>
      %dma_start3A = arith.constant 0 : i32
      %dma_start3A_55 = tpu.memref_slice %arg7[%arg0, %add3A_38, %dma_start3A] : memref<2x10240x128xf32, #tpu.memory_space<hbm>> -> memref<1x128x128xf32, #tpu.memory_space<hbm>>
      %dma_start3A_56 = tpu.memref_squeeze %dma_start3A_55 : memref<1x128x128xf32, #tpu.memory_space<hbm>> -> memref<128x128xf32, #tpu.memory_space<hbm>>
      %dma_start3A_57 = arith.constant 0 : i32
      %dma_start3A_58 = tpu.memref_slice %arg7[%arg0, %add3A_38, %dma_start3A_57] : memref<2x10240x128xf32, #tpu.memory_space<hbm>> -> memref<1x128x128xf32, #tpu.memory_space<hbm>>
      %dma_start3A_59 = tpu.memref_squeeze %dma_start3A_58 : memref<1x128x128xf32, #tpu.memory_space<hbm>> -> memref<128x128xf32, #tpu.memory_space<hbm>>
      tpu.enqueue_dma source(%arg11 : memref<128x128xf32, #tpu.memory_space<vmem>>) target(%dma_start3A_59 : memref<128x128xf32, #tpu.memory_space<hbm>>) target_semaphore(%run_scoped3A : memref<!tpu.dma_semaphore, #tpu.memory_space<semaphore_mem>>)
      %dma_wait3A = arith.constant 0 : i32
      %dma_wait3A_60 = tpu.memref_slice %arg7[%arg0, %add3A_38, %dma_wait3A] : memref<2x10240x128xf32, #tpu.memory_space<hbm>> -> memref<1x128x128xf32, #tpu.memory_space<hbm>>
      %dma_wait3A_61 = tpu.memref_squeeze %dma_wait3A_60 : memref<1x128x128xf32, #tpu.memory_space<hbm>> -> memref<128x128xf32, #tpu.memory_space<hbm>>
      %dma_wait3A_62 = arith.constant 0 : i32
      %dma_wait3A_63 = tpu.memref_slice %arg7[%arg0, %add3A_38, %dma_wait3A_62] : memref<2x10240x128xf32, #tpu.memory_space<hbm>> -> memref<1x128x128xf32, #tpu.memory_space<hbm>>
      %dma_wait3A_64 = tpu.memref_squeeze %dma_wait3A_63 : memref<1x128x128xf32, #tpu.memory_space<hbm>> -> memref<128x128xf32, #tpu.memory_space<hbm>>
      tpu.wait_dma2 semaphore(%run_scoped3A : memref<!tpu.dma_semaphore, #tpu.memory_space<semaphore_mem>>) src(%arg11 : memref<128x128xf32, #tpu.memory_space<vmem>>) dst(%dma_wait3A_64 : memref<128x128xf32, #tpu.memory_space<hbm>>)
      tpu.yield
    }) : () -> ()
    %mul3A_39 = arith.constant 640 : i32
    %mul3A_40 = arith.muli %arg1, %mul3A_39 : i32
    %add3A_41 = arith.constant 128 : i32
    %add3A_42 = arith.addi %mul3A_40, %add3A_41 : i32
    "tpu.region"() ({
      %run_scoped3A = tpu.sem_alloc : memref<!tpu.dma_semaphore, #tpu.memory_space<semaphore_mem>>
      %dma_start3A = arith.constant 0 : i32
      %dma_start3A_55 = tpu.memref_slice %arg14[%add3A_42, %dma_start3A] : memref<10240x128xf32, #tpu.memory_space<vmem_shared>> -> memref<128x128xf32, #tpu.memory_space<vmem_shared>>
      %dma_start3A_56 = arith.constant 0 : i32
      %dma_start3A_57 = tpu.memref_slice %arg14[%add3A_42, %dma_start3A_56] : memref<10240x128xf32, #tpu.memory_space<vmem_shared>> -> memref<128x128xf32, #tpu.memory_space<vmem_shared>>
      tpu.enqueue_dma source(%dma_start3A_57 : memref<128x128xf32, #tpu.memory_space<vmem_shared>>) target(%arg11 : memref<128x128xf32, #tpu.memory_space<vmem>>) target_semaphore(%run_scoped3A : memref<!tpu.dma_semaphore, #tpu.memory_space<semaphore_mem>>)
      %dma_wait3A = arith.constant 0 : i32
      %dma_wait3A_58 = tpu.memref_slice %arg14[%add3A_42, %dma_wait3A] : memref<10240x128xf32, #tpu.memory_space<vmem_shared>> -> memref<128x128xf32, #tpu.memory_space<vmem_shared>>
      %dma_wait3A_59 = arith.constant 0 : i32
      %dma_wait3A_60 = tpu.memref_slice %arg14[%add3A_42, %dma_wait3A_59] : memref<10240x128xf32, #tpu.memory_space<vmem_shared>> -> memref<128x128xf32, #tpu.memory_space<vmem_shared>>
      tpu.wait_dma2 semaphore(%run_scoped3A : memref<!tpu.dma_semaphore, #tpu.memory_space<semaphore_mem>>) src(%dma_wait3A_60 : memref<128x128xf32, #tpu.memory_space<vmem_shared>>) dst(%arg11 : memref<128x128xf32, #tpu.memory_space<vmem>>)
      tpu.yield
    }) : () -> ()
    "tpu.region"() ({
      %run_scoped3A = tpu.sem_alloc : memref<!tpu.dma_semaphore, #tpu.memory_space<semaphore_mem>>
      %dma_start3A = arith.constant 0 : i32
      %dma_start3A_55 = tpu.memref_slice %arg7[%arg0, %add3A_42, %dma_start3A] : memref<2x10240x128xf32, #tpu.memory_space<hbm>> -> memref<1x128x128xf32, #tpu.memory_space<hbm>>
      %dma_start3A_56 = tpu.memref_squeeze %dma_start3A_55 : memref<1x128x128xf32, #tpu.memory_space<hbm>> -> memref<128x128xf32, #tpu.memory_space<hbm>>
      %dma_start3A_57 = arith.constant 0 : i32
      %dma_start3A_58 = tpu.memref_slice %arg7[%arg0, %add3A_42, %dma_start3A_57] : memref<2x10240x128xf32, #tpu.memory_space<hbm>> -> memref<1x128x128xf32, #tpu.memory_space<hbm>>
      %dma_start3A_59 = tpu.memref_squeeze %dma_start3A_58 : memref<1x128x128xf32, #tpu.memory_space<hbm>> -> memref<128x128xf32, #tpu.memory_space<hbm>>
      tpu.enqueue_dma source(%arg11 : memref<128x128xf32, #tpu.memory_space<vmem>>) target(%dma_start3A_59 : memref<128x128xf32, #tpu.memory_space<hbm>>) target_semaphore(%run_scoped3A : memref<!tpu.dma_semaphore, #tpu.memory_space<semaphore_mem>>)
      %dma_wait3A = arith.constant 0 : i32
      %dma_wait3A_60 = tpu.memref_slice %arg7[%arg0, %add3A_42, %dma_wait3A] : memref<2x10240x128xf32, #tpu.memory_space<hbm>> -> memref<1x128x128xf32, #tpu.memory_space<hbm>>
      %dma_wait3A_61 = tpu.memref_squeeze %dma_wait3A_60 : memref<1x128x128xf32, #tpu.memory_space<hbm>> -> memref<128x128xf32, #tpu.memory_space<hbm>>
      %dma_wait3A_62 = arith.constant 0 : i32
      %dma_wait3A_63 = tpu.memref_slice %arg7[%arg0, %add3A_42, %dma_wait3A_62] : memref<2x10240x128xf32, #tpu.memory_space<hbm>> -> memref<1x128x128xf32, #tpu.memory_space<hbm>>
      %dma_wait3A_64 = tpu.memref_squeeze %dma_wait3A_63 : memref<1x128x128xf32, #tpu.memory_space<hbm>> -> memref<128x128xf32, #tpu.memory_space<hbm>>
      tpu.wait_dma2 semaphore(%run_scoped3A : memref<!tpu.dma_semaphore, #tpu.memory_space<semaphore_mem>>) src(%arg11 : memref<128x128xf32, #tpu.memory_space<vmem>>) dst(%dma_wait3A_64 : memref<128x128xf32, #tpu.memory_space<hbm>>)
      tpu.yield
    }) : () -> ()
    %mul3A_43 = arith.constant 640 : i32
    %mul3A_44 = arith.muli %arg1, %mul3A_43 : i32
    %add3A_45 = arith.constant 256 : i32
    %add3A_46 = arith.addi %mul3A_44, %add3A_45 : i32
    "tpu.region"() ({
      %run_scoped3A = tpu.sem_alloc : memref<!tpu.dma_semaphore, #tpu.memory_space<semaphore_mem>>
      %dma_start3A = arith.constant 0 : i32
      %dma_start3A_55 = tpu.memref_slice %arg14[%add3A_46, %dma_start3A] : memref<10240x128xf32, #tpu.memory_space<vmem_shared>> -> memref<128x128xf32, #tpu.memory_space<vmem_shared>>
      %dma_start3A_56 = arith.constant 0 : i32
      %dma_start3A_57 = tpu.memref_slice %arg14[%add3A_46, %dma_start3A_56] : memref<10240x128xf32, #tpu.memory_space<vmem_shared>> -> memref<128x128xf32, #tpu.memory_space<vmem_shared>>
      tpu.enqueue_dma source(%dma_start3A_57 : memref<128x128xf32, #tpu.memory_space<vmem_shared>>) target(%arg11 : memref<128x128xf32, #tpu.memory_space<vmem>>) target_semaphore(%run_scoped3A : memref<!tpu.dma_semaphore, #tpu.memory_space<semaphore_mem>>)
      %dma_wait3A = arith.constant 0 : i32
      %dma_wait3A_58 = tpu.memref_slice %arg14[%add3A_46, %dma_wait3A] : memref<10240x128xf32, #tpu.memory_space<vmem_shared>> -> memref<128x128xf32, #tpu.memory_space<vmem_shared>>
      %dma_wait3A_59 = arith.constant 0 : i32
      %dma_wait3A_60 = tpu.memref_slice %arg14[%add3A_46, %dma_wait3A_59] : memref<10240x128xf32, #tpu.memory_space<vmem_shared>> -> memref<128x128xf32, #tpu.memory_space<vmem_shared>>
      tpu.wait_dma2 semaphore(%run_scoped3A : memref<!tpu.dma_semaphore, #tpu.memory_space<semaphore_mem>>) src(%dma_wait3A_60 : memref<128x128xf32, #tpu.memory_space<vmem_shared>>) dst(%arg11 : memref<128x128xf32, #tpu.memory_space<vmem>>)
      tpu.yield
    }) : () -> ()
    "tpu.region"() ({
      %run_scoped3A = tpu.sem_alloc : memref<!tpu.dma_semaphore, #tpu.memory_space<semaphore_mem>>
      %dma_start3A = arith.constant 0 : i32
      %dma_start3A_55 = tpu.memref_slice %arg7[%arg0, %add3A_46, %dma_start3A] : memref<2x10240x128xf32, #tpu.memory_space<hbm>> -> memref<1x128x128xf32, #tpu.memory_space<hbm>>
      %dma_start3A_56 = tpu.memref_squeeze %dma_start3A_55 : memref<1x128x128xf32, #tpu.memory_space<hbm>> -> memref<128x128xf32, #tpu.memory_space<hbm>>
      %dma_start3A_57 = arith.constant 0 : i32
      %dma_start3A_58 = tpu.memref_slice %arg7[%arg0, %add3A_46, %dma_start3A_57] : memref<2x10240x128xf32, #tpu.memory_space<hbm>> -> memref<1x128x128xf32, #tpu.memory_space<hbm>>
      %dma_start3A_59 = tpu.memref_squeeze %dma_start3A_58 : memref<1x128x128xf32, #tpu.memory_space<hbm>> -> memref<128x128xf32, #tpu.memory_space<hbm>>
      tpu.enqueue_dma source(%arg11 : memref<128x128xf32, #tpu.memory_space<vmem>>) target(%dma_start3A_59 : memref<128x128xf32, #tpu.memory_space<hbm>>) target_semaphore(%run_scoped3A : memref<!tpu.dma_semaphore, #tpu.memory_space<semaphore_mem>>)
      %dma_wait3A = arith.constant 0 : i32
      %dma_wait3A_60 = tpu.memref_slice %arg7[%arg0, %add3A_46, %dma_wait3A] : memref<2x10240x128xf32, #tpu.memory_space<hbm>> -> memref<1x128x128xf32, #tpu.memory_space<hbm>>
      %dma_wait3A_61 = tpu.memref_squeeze %dma_wait3A_60 : memref<1x128x128xf32, #tpu.memory_space<hbm>> -> memref<128x128xf32, #tpu.memory_space<hbm>>
      %dma_wait3A_62 = arith.constant 0 : i32
      %dma_wait3A_63 = tpu.memref_slice %arg7[%arg0, %add3A_46, %dma_wait3A_62] : memref<2x10240x128xf32, #tpu.memory_space<hbm>> -> memref<1x128x128xf32, #tpu.memory_space<hbm>>
      %dma_wait3A_64 = tpu.memref_squeeze %dma_wait3A_63 : memref<1x128x128xf32, #tpu.memory_space<hbm>> -> memref<128x128xf32, #tpu.memory_space<hbm>>
      tpu.wait_dma2 semaphore(%run_scoped3A : memref<!tpu.dma_semaphore, #tpu.memory_space<semaphore_mem>>) src(%arg11 : memref<128x128xf32, #tpu.memory_space<vmem>>) dst(%dma_wait3A_64 : memref<128x128xf32, #tpu.memory_space<hbm>>)
      tpu.yield
    }) : () -> ()
    %mul3A_47 = arith.constant 640 : i32
    %mul3A_48 = arith.muli %arg1, %mul3A_47 : i32
    %add3A_49 = arith.constant 384 : i32
    %add3A_50 = arith.addi %mul3A_48, %add3A_49 : i32
    "tpu.region"() ({
      %run_scoped3A = tpu.sem_alloc : memref<!tpu.dma_semaphore, #tpu.memory_space<semaphore_mem>>
      %dma_start3A = arith.constant 0 : i32
      %dma_start3A_55 = tpu.memref_slice %arg14[%add3A_50, %dma_start3A] : memref<10240x128xf32, #tpu.memory_space<vmem_shared>> -> memref<128x128xf32, #tpu.memory_space<vmem_shared>>
      %dma_start3A_56 = arith.constant 0 : i32
      %dma_start3A_57 = tpu.memref_slice %arg14[%add3A_50, %dma_start3A_56] : memref<10240x128xf32, #tpu.memory_space<vmem_shared>> -> memref<128x128xf32, #tpu.memory_space<vmem_shared>>
      tpu.enqueue_dma source(%dma_start3A_57 : memref<128x128xf32, #tpu.memory_space<vmem_shared>>) target(%arg11 : memref<128x128xf32, #tpu.memory_space<vmem>>) target_semaphore(%run_scoped3A : memref<!tpu.dma_semaphore, #tpu.memory_space<semaphore_mem>>)
      %dma_wait3A = arith.constant 0 : i32
      %dma_wait3A_58 = tpu.memref_slice %arg14[%add3A_50, %dma_wait3A] : memref<10240x128xf32, #tpu.memory_space<vmem_shared>> -> memref<128x128xf32, #tpu.memory_space<vmem_shared>>
      %dma_wait3A_59 = arith.constant 0 : i32
      %dma_wait3A_60 = tpu.memref_slice %arg14[%add3A_50, %dma_wait3A_59] : memref<10240x128xf32, #tpu.memory_space<vmem_shared>> -> memref<128x128xf32, #tpu.memory_space<vmem_shared>>
      tpu.wait_dma2 semaphore(%run_scoped3A : memref<!tpu.dma_semaphore, #tpu.memory_space<semaphore_mem>>) src(%dma_wait3A_60 : memref<128x128xf32, #tpu.memory_space<vmem_shared>>) dst(%arg11 : memref<128x128xf32, #tpu.memory_space<vmem>>)
      tpu.yield
    }) : () -> ()
    "tpu.region"() ({
      %run_scoped3A = tpu.sem_alloc : memref<!tpu.dma_semaphore, #tpu.memory_space<semaphore_mem>>
      %dma_start3A = arith.constant 0 : i32
      %dma_start3A_55 = tpu.memref_slice %arg7[%arg0, %add3A_50, %dma_start3A] : memref<2x10240x128xf32, #tpu.memory_space<hbm>> -> memref<1x128x128xf32, #tpu.memory_space<hbm>>
      %dma_start3A_56 = tpu.memref_squeeze %dma_start3A_55 : memref<1x128x128xf32, #tpu.memory_space<hbm>> -> memref<128x128xf32, #tpu.memory_space<hbm>>
      %dma_start3A_57 = arith.constant 0 : i32
      %dma_start3A_58 = tpu.memref_slice %arg7[%arg0, %add3A_50, %dma_start3A_57] : memref<2x10240x128xf32, #tpu.memory_space<hbm>> -> memref<1x128x128xf32, #tpu.memory_space<hbm>>
      %dma_start3A_59 = tpu.memref_squeeze %dma_start3A_58 : memref<1x128x128xf32, #tpu.memory_space<hbm>> -> memref<128x128xf32, #tpu.memory_space<hbm>>
      tpu.enqueue_dma source(%arg11 : memref<128x128xf32, #tpu.memory_space<vmem>>) target(%dma_start3A_59 : memref<128x128xf32, #tpu.memory_space<hbm>>) target_semaphore(%run_scoped3A : memref<!tpu.dma_semaphore, #tpu.memory_space<semaphore_mem>>)
      %dma_wait3A = arith.constant 0 : i32
      %dma_wait3A_60 = tpu.memref_slice %arg7[%arg0, %add3A_50, %dma_wait3A] : memref<2x10240x128xf32, #tpu.memory_space<hbm>> -> memref<1x128x128xf32, #tpu.memory_space<hbm>>
      %dma_wait3A_61 = tpu.memref_squeeze %dma_wait3A_60 : memref<1x128x128xf32, #tpu.memory_space<hbm>> -> memref<128x128xf32, #tpu.memory_space<hbm>>
      %dma_wait3A_62 = arith.constant 0 : i32
      %dma_wait3A_63 = tpu.memref_slice %arg7[%arg0, %add3A_50, %dma_wait3A_62] : memref<2x10240x128xf32, #tpu.memory_space<hbm>> -> memref<1x128x128xf32, #tpu.memory_space<hbm>>
      %dma_wait3A_64 = tpu.memref_squeeze %dma_wait3A_63 : memref<1x128x128xf32, #tpu.memory_space<hbm>> -> memref<128x128xf32, #tpu.memory_space<hbm>>
      tpu.wait_dma2 semaphore(%run_scoped3A : memref<!tpu.dma_semaphore, #tpu.memory_space<semaphore_mem>>) src(%arg11 : memref<128x128xf32, #tpu.memory_space<vmem>>) dst(%dma_wait3A_64 : memref<128x128xf32, #tpu.memory_space<hbm>>)
      tpu.yield
    }) : () -> ()
    %mul3A_51 = arith.constant 640 : i32
    %mul3A_52 = arith.muli %arg1, %mul3A_51 : i32
    %add3A_53 = arith.constant 512 : i32
    %add3A_54 = arith.addi %mul3A_52, %add3A_53 : i32
    "tpu.region"() ({
      %run_scoped3A = tpu.sem_alloc : memref<!tpu.dma_semaphore, #tpu.memory_space<semaphore_mem>>
      %dma_start3A = arith.constant 0 : i32
      %dma_start3A_55 = tpu.memref_slice %arg14[%add3A_54, %dma_start3A] : memref<10240x128xf32, #tpu.memory_space<vmem_shared>> -> memref<128x128xf32, #tpu.memory_space<vmem_shared>>
      %dma_start3A_56 = arith.constant 0 : i32
      %dma_start3A_57 = tpu.memref_slice %arg14[%add3A_54, %dma_start3A_56] : memref<10240x128xf32, #tpu.memory_space<vmem_shared>> -> memref<128x128xf32, #tpu.memory_space<vmem_shared>>
      tpu.enqueue_dma source(%dma_start3A_57 : memref<128x128xf32, #tpu.memory_space<vmem_shared>>) target(%arg11 : memref<128x128xf32, #tpu.memory_space<vmem>>) target_semaphore(%run_scoped3A : memref<!tpu.dma_semaphore, #tpu.memory_space<semaphore_mem>>)
      %dma_wait3A = arith.constant 0 : i32
      %dma_wait3A_58 = tpu.memref_slice %arg14[%add3A_54, %dma_wait3A] : memref<10240x128xf32, #tpu.memory_space<vmem_shared>> -> memref<128x128xf32, #tpu.memory_space<vmem_shared>>
      %dma_wait3A_59 = arith.constant 0 : i32
      %dma_wait3A_60 = tpu.memref_slice %arg14[%add3A_54, %dma_wait3A_59] : memref<10240x128xf32, #tpu.memory_space<vmem_shared>> -> memref<128x128xf32, #tpu.memory_space<vmem_shared>>
      tpu.wait_dma2 semaphore(%run_scoped3A : memref<!tpu.dma_semaphore, #tpu.memory_space<semaphore_mem>>) src(%dma_wait3A_60 : memref<128x128xf32, #tpu.memory_space<vmem_shared>>) dst(%arg11 : memref<128x128xf32, #tpu.memory_space<vmem>>)
      tpu.yield
    }) : () -> ()
    "tpu.region"() ({
      %run_scoped3A = tpu.sem_alloc : memref<!tpu.dma_semaphore, #tpu.memory_space<semaphore_mem>>
      %dma_start3A = arith.constant 0 : i32
      %dma_start3A_55 = tpu.memref_slice %arg7[%arg0, %add3A_54, %dma_start3A] : memref<2x10240x128xf32, #tpu.memory_space<hbm>> -> memref<1x128x128xf32, #tpu.memory_space<hbm>>
      %dma_start3A_56 = tpu.memref_squeeze %dma_start3A_55 : memref<1x128x128xf32, #tpu.memory_space<hbm>> -> memref<128x128xf32, #tpu.memory_space<hbm>>
      %dma_start3A_57 = arith.constant 0 : i32
      %dma_start3A_58 = tpu.memref_slice %arg7[%arg0, %add3A_54, %dma_start3A_57] : memref<2x10240x128xf32, #tpu.memory_space<hbm>> -> memref<1x128x128xf32, #tpu.memory_space<hbm>>
      %dma_start3A_59 = tpu.memref_squeeze %dma_start3A_58 : memref<1x128x128xf32, #tpu.memory_space<hbm>> -> memref<128x128xf32, #tpu.memory_space<hbm>>
      tpu.enqueue_dma source(%arg11 : memref<128x128xf32, #tpu.memory_space<vmem>>) target(%dma_start3A_59 : memref<128x128xf32, #tpu.memory_space<hbm>>) target_semaphore(%run_scoped3A : memref<!tpu.dma_semaphore, #tpu.memory_space<semaphore_mem>>)
      %dma_wait3A = arith.constant 0 : i32
      %dma_wait3A_60 = tpu.memref_slice %arg7[%arg0, %add3A_54, %dma_wait3A] : memref<2x10240x128xf32, #tpu.memory_space<hbm>> -> memref<1x128x128xf32, #tpu.memory_space<hbm>>
      %dma_wait3A_61 = tpu.memref_squeeze %dma_wait3A_60 : memref<1x128x128xf32, #tpu.memory_space<hbm>> -> memref<128x128xf32, #tpu.memory_space<hbm>>
      %dma_wait3A_62 = arith.constant 0 : i32
      %dma_wait3A_63 = tpu.memref_slice %arg7[%arg0, %add3A_54, %dma_wait3A_62] : memref<2x10240x128xf32, #tpu.memory_space<hbm>> -> memref<1x128x128xf32, #tpu.memory_space<hbm>>
      %dma_wait3A_64 = tpu.memref_squeeze %dma_wait3A_63 : memref<1x128x128xf32, #tpu.memory_space<hbm>> -> memref<128x128xf32, #tpu.memory_space<hbm>>
      tpu.wait_dma2 semaphore(%run_scoped3A : memref<!tpu.dma_semaphore, #tpu.memory_space<semaphore_mem>>) src(%arg11 : memref<128x128xf32, #tpu.memory_space<vmem>>) dst(%dma_wait3A_64 : memref<128x128xf32, #tpu.memory_space<hbm>>)
      tpu.yield
    }) : () -> ()
    return
  }
}

module attributes {stable_mosaic.version = 14 : i64} {
  func.func @_proj_body(%arg0: i32, %arg1: memref<1000x512xf32, #tpu.memory_space<vmem>>, %arg2: memref<512x128xf32, #tpu.memory_space<vmem>>, %arg3: memref<1x128xf32, #tpu.memory_space<vmem>>, %arg4: memref<1000x128xf32, #tpu.memory_space<vmem>>) attributes {dimension_semantics = [#tpu.dimension_semantics<arbitrary>], iteration_bounds = array<i64: 10>, scalar_prefetch = 0 : i64, scratch_operands = 0 : i64, tpu.core_type = #tpu.core_type<tc>, window_params = [{transform_indices = @transform_0, window_bounds = array<i64: 1000, 512>}, {pipeline_mode = #tpu.pipeline_mode<synchronous>, transform_indices = @transform_1, window_bounds = array<i64: 512, 128>}, {pipeline_mode = #tpu.pipeline_mode<synchronous>, transform_indices = @transform_2, window_bounds = array<i64: 1, 128>}, {transform_indices = @transform_3, window_bounds = array<i64: 1000, 128>}]} {
    %get3A = arith.constant 0 : index
    %get3A_0 = arith.constant 0 : index
    %get3A_1 = vector.load %arg1[%get3A, %get3A_0] : memref<1000x512xf32, #tpu.memory_space<vmem>>, vector<1000x512xf32>
    %get3A_2 = arith.constant 0 : index
    %get3A_3 = arith.constant 0 : index
    %get3A_4 = vector.load %arg2[%get3A_2, %get3A_3] : memref<512x128xf32, #tpu.memory_space<vmem>>, vector<512x128xf32>
    %dot_general3A = arith.constant dense<0.000000e+00> : vector<1000x128xf32>
    %dot_general3A_5 = tpu.matmul %get3A_1, %get3A_4, %dot_general3A {dimension_numbers = #tpu.dot_dimension_numbers<[1], [0], [0], [1], [0, 0, 1, 1], [], []>, transpose_lhs_hint = false} : vector<1000x512xf32>, vector<512x128xf32>, vector<1000x128xf32> -> vector<1000x128xf32>
    %get3A_6 = arith.constant 0 : index
    %get3A_7 = arith.constant 0 : index
    %get3A_8 = vector.load %arg3[%get3A_6, %get3A_7] : memref<1x128xf32, #tpu.memory_space<vmem>>, vector<1x128xf32>
    %add3A = vector.broadcast %get3A_8 : vector<1x128xf32> to vector<1000x128xf32>
    %add3A_9 = arith.addf %dot_general3A_5, %add3A : vector<1000x128xf32>
    %swap3A = arith.constant 0 : index
    %swap3A_10 = arith.constant 0 : index
    %swap3A_11 = vector.load %arg4[%swap3A, %swap3A_10] : memref<1000x128xf32, #tpu.memory_space<vmem>>, vector<1000x128xf32>
    tpu.vector_store %arg4[%swap3A, %swap3A_10], %add3A_9 {strides = array<i32>} : memref<1000x128xf32, #tpu.memory_space<vmem>>, vector<1000x128xf32>,
    return
  }
  func.func @transform_0(%arg0: i32) -> (i32, i32) {
    %c0_i32 = arith.constant 0 : i32
    %c0_i32_0 = arith.constant 0 : i32
    return %arg0, %c0_i32 : i32, i32
  }
  func.func @transform_1(%arg0: i32) -> (i32, i32) {
    %c0_i32 = arith.constant 0 : i32
    %c0_i32_0 = arith.constant 0 : i32
    %c0_i32_1 = arith.constant 0 : i32
    return %c0_i32, %c0_i32_0 : i32, i32
  }
  func.func @transform_2(%arg0: i32) -> (i32, i32) {
    %c0_i32 = arith.constant 0 : i32
    %c0_i32_0 = arith.constant 0 : i32
    %c0_i32_1 = arith.constant 0 : i32
    return %c0_i32, %c0_i32_0 : i32, i32
  }
  func.func @transform_3(%arg0: i32) -> (i32, i32) {
    %c0_i32 = arith.constant 0 : i32
    %c0_i32_0 = arith.constant 0 : i32
    return %arg0, %c0_i32 : i32, i32
  }
}

module attributes {stable_mosaic.version = 14 : i64} {
  func.func @_mlp_body(%arg0: i32, %arg1: memref<1000x128xf32, #tpu.memory_space<vmem>>, %arg2: memref<1x1000x128xf32, #tpu.memory_space<vmem>>, %arg3: memref<1x1000x128xf32, #tpu.memory_space<vmem>>, %arg4: memref<128x128xf32, #tpu.memory_space<vmem>>, %arg5: memref<1x128xf32, #tpu.memory_space<vmem>>, %arg6: memref<128x128xf32, #tpu.memory_space<vmem>>, %arg7: memref<1x128xf32, #tpu.memory_space<vmem>>, %arg8: memref<1000x128xf32, #tpu.memory_space<vmem>>) attributes {dimension_semantics = [#tpu.dimension_semantics<arbitrary>], iteration_bounds = array<i64: 10>, scalar_prefetch = 0 : i64, scratch_operands = 0 : i64, tpu.core_type = #tpu.core_type<tc>, window_params = [{transform_indices = @transform_0, window_bounds = array<i64: 1000, 128>}, {transform_indices = @transform_1, window_bounds = array<i64: 1, 1000, 128>}, {transform_indices = @transform_2, window_bounds = array<i64: 1, 1000, 128>}, {pipeline_mode = #tpu.pipeline_mode<synchronous>, transform_indices = @transform_3, window_bounds = array<i64: 128, 128>}, {pipeline_mode = #tpu.pipeline_mode<synchronous>, transform_indices = @transform_4, window_bounds = array<i64: 1, 128>}, {pipeline_mode = #tpu.pipeline_mode<synchronous>, transform_indices = @transform_5, window_bounds = array<i64: 128, 128>}, {pipeline_mode = #tpu.pipeline_mode<synchronous>, transform_indices = @transform_6, window_bounds = array<i64: 1, 128>}, {transform_indices = @transform_7, window_bounds = array<i64: 1000, 128>}]} {
    %get3A = arith.constant 0 : index
    %get3A_0 = arith.constant 0 : index
    %get3A_1 = vector.load %arg1[%get3A, %get3A_0] : memref<1000x128xf32, #tpu.memory_space<vmem>>, vector<1000x128xf32>
    %get3A_2 = arith.constant 0 : index
    %get3A_3 = arith.constant 0 : index
    %get3A_4 = arith.constant 0 : index
    %get3A_5 = vector.load %arg2[%get3A_2, %get3A_3, %get3A_4] : memref<1x1000x128xf32, #tpu.memory_space<vmem>>, vector<1x1000x128xf32>
    %get3A_6 = vector.shape_cast %get3A_5 : vector<1x1000x128xf32> to vector<1000x128xf32>
    %add3A = arith.addf %get3A_1, %get3A_6 : vector<1000x128xf32>
    %get3A_7 = arith.constant 0 : index
    %get3A_8 = arith.constant 0 : index
    %get3A_9 = arith.constant 0 : index
    %get3A_10 = vector.load %arg3[%get3A_7, %get3A_8, %get3A_9] : memref<1x1000x128xf32, #tpu.memory_space<vmem>>, vector<1x1000x128xf32>
    %get3A_11 = vector.shape_cast %get3A_10 : vector<1x1000x128xf32> to vector<1000x128xf32>
    %add3A_12 = arith.addf %add3A, %get3A_11 : vector<1000x128xf32>
    %get3A_13 = arith.constant 0 : index
    %get3A_14 = arith.constant 0 : index
    %get3A_15 = vector.load %arg4[%get3A_13, %get3A_14] : memref<128x128xf32, #tpu.memory_space<vmem>>, vector<128x128xf32>
    %dot_general3A = arith.constant dense<0.000000e+00> : vector<1000x128xf32>
    %dot_general3A_16 = tpu.matmul %add3A_12, %get3A_15, %dot_general3A {dimension_numbers = #tpu.dot_dimension_numbers<[1], [0], [0], [1], [0, 0, 1, 1], [], []>, transpose_lhs_hint = false} : vector<1000x128xf32>, vector<128x128xf32>, vector<1000x128xf32> -> vector<1000x128xf32>
    %get3A_17 = arith.constant 0 : index
    %get3A_18 = arith.constant 0 : index
    %get3A_19 = vector.load %arg5[%get3A_17, %get3A_18] : memref<1x128xf32, #tpu.memory_space<vmem>>, vector<1x128xf32>
    %add3A_20 = vector.broadcast %get3A_19 : vector<1x128xf32> to vector<1000x128xf32>
    %add3A_21 = arith.addf %dot_general3A_16, %add3A_20 : vector<1000x128xf32>
    %max3A = arith.constant 0.000000e+00 : f32
    %max3A_22 = vector.broadcast %max3A : f32 to vector<1000x128xf32>
    %max3A_23 = arith.maximumf %add3A_21, %max3A_22 : vector<1000x128xf32>
    %get3A_24 = arith.constant 0 : index
    %get3A_25 = arith.constant 0 : index
    %get3A_26 = vector.load %arg6[%get3A_24, %get3A_25] : memref<128x128xf32, #tpu.memory_space<vmem>>, vector<128x128xf32>
    %dot_general3A_27 = arith.constant dense<0.000000e+00> : vector<1000x128xf32>
    %dot_general3A_28 = tpu.matmul %max3A_23, %get3A_26, %dot_general3A_27 {dimension_numbers = #tpu.dot_dimension_numbers<[1], [0], [0], [1], [0, 0, 1, 1], [], []>, transpose_lhs_hint = false} : vector<1000x128xf32>, vector<128x128xf32>, vector<1000x128xf32> -> vector<1000x128xf32>
    %get3A_29 = arith.constant 0 : index
    %get3A_30 = arith.constant 0 : index
    %get3A_31 = vector.load %arg7[%get3A_29, %get3A_30] : memref<1x128xf32, #tpu.memory_space<vmem>>, vector<1x128xf32>
    %add3A_32 = vector.broadcast %get3A_31 : vector<1x128xf32> to vector<1000x128xf32>
    %add3A_33 = arith.addf %dot_general3A_28, %add3A_32 : vector<1000x128xf32>
    %get3A_34 = arith.constant 0 : index
    %get3A_35 = arith.constant 0 : index
    %get3A_36 = vector.load %arg1[%get3A_34, %get3A_35] : memref<1000x128xf32, #tpu.memory_space<vmem>>, vector<1000x128xf32>
    %add3A_37 = arith.addf %add3A_33, %get3A_36 : vector<1000x128xf32>
    %swap3A = arith.constant 0 : index
    %swap3A_38 = arith.constant 0 : index
    %swap3A_39 = vector.load %arg8[%swap3A, %swap3A_38] : memref<1000x128xf32, #tpu.memory_space<vmem>>, vector<1000x128xf32>
    tpu.vector_store %arg8[%swap3A, %swap3A_38], %add3A_37 {strides = array<i32>} : memref<1000x128xf32, #tpu.memory_space<vmem>>, vector<1000x128xf32>,
    return
  }
  func.func @transform_0(%arg0: i32) -> (i32, i32) {
    %c0_i32 = arith.constant 0 : i32
    %c0_i32_0 = arith.constant 0 : i32
    return %arg0, %c0_i32 : i32, i32
  }
  func.func @transform_1(%arg0: i32) -> (i32, i32, i32) {
    %c0_i32 = arith.constant 0 : i32
    %c0_i32_0 = arith.constant 0 : i32
    %c0_i32_1 = arith.constant 0 : i32
    return %c0_i32, %arg0, %c0_i32_0 : i32, i32, i32
  }
  func.func @transform_2(%arg0: i32) -> (i32, i32, i32) {
    %c1_i32 = arith.constant 1 : i32
    %c0_i32 = arith.constant 0 : i32
    %c0_i32_0 = arith.constant 0 : i32
    return %c1_i32, %arg0, %c0_i32 : i32, i32, i32
  }
  func.func @transform_3(%arg0: i32) -> (i32, i32) {
    %c0_i32 = arith.constant 0 : i32
    %c0_i32_0 = arith.constant 0 : i32
    %c0_i32_1 = arith.constant 0 : i32
    return %c0_i32, %c0_i32_0 : i32, i32
  }
  func.func @transform_4(%arg0: i32) -> (i32, i32) {
    %c0_i32 = arith.constant 0 : i32
    %c0_i32_0 = arith.constant 0 : i32
    %c0_i32_1 = arith.constant 0 : i32
    return %c0_i32, %c0_i32_0 : i32, i32
  }
  func.func @transform_5(%arg0: i32) -> (i32, i32) {
    %c0_i32 = arith.constant 0 : i32
    %c0_i32_0 = arith.constant 0 : i32
    %c0_i32_1 = arith.constant 0 : i32
    return %c0_i32, %c0_i32_0 : i32, i32
  }
  func.func @transform_6(%arg0: i32) -> (i32, i32) {
    %c0_i32 = arith.constant 0 : i32
    %c0_i32_0 = arith.constant 0 : i32
    %c0_i32_1 = arith.constant 0 : i32
    return %c0_i32, %c0_i32_0 : i32, i32
  }
  func.func @transform_7(%arg0: i32) -> (i32, i32) {
    %c0_i32 = arith.constant 0 : i32
    %c0_i32_0 = arith.constant 0 : i32
    return %arg0, %c0_i32 : i32, i32
  }
}

module attributes {stable_mosaic.version = 14 : i64} {
  func.func @_mlp_body(%arg0: i32, %arg1: memref<1000x128xf32, #tpu.memory_space<vmem>>, %arg2: memref<1x1000x128xf32, #tpu.memory_space<vmem>>, %arg3: memref<1x1000x128xf32, #tpu.memory_space<vmem>>, %arg4: memref<128x128xf32, #tpu.memory_space<vmem>>, %arg5: memref<1x128xf32, #tpu.memory_space<vmem>>, %arg6: memref<128x128xf32, #tpu.memory_space<vmem>>, %arg7: memref<1x128xf32, #tpu.memory_space<vmem>>, %arg8: memref<1000x128xf32, #tpu.memory_space<vmem>>) attributes {dimension_semantics = [#tpu.dimension_semantics<arbitrary>], iteration_bounds = array<i64: 10>, scalar_prefetch = 0 : i64, scratch_operands = 0 : i64, tpu.core_type = #tpu.core_type<tc>, window_params = [{transform_indices = @transform_0, window_bounds = array<i64: 1000, 128>}, {transform_indices = @transform_1, window_bounds = array<i64: 1, 1000, 128>}, {transform_indices = @transform_2, window_bounds = array<i64: 1, 1000, 128>}, {pipeline_mode = #tpu.pipeline_mode<synchronous>, transform_indices = @transform_3, window_bounds = array<i64: 128, 128>}, {pipeline_mode = #tpu.pipeline_mode<synchronous>, transform_indices = @transform_4, window_bounds = array<i64: 1, 128>}, {pipeline_mode = #tpu.pipeline_mode<synchronous>, transform_indices = @transform_5, window_bounds = array<i64: 128, 128>}, {pipeline_mode = #tpu.pipeline_mode<synchronous>, transform_indices = @transform_6, window_bounds = array<i64: 1, 128>}, {transform_indices = @transform_7, window_bounds = array<i64: 1000, 128>}]} {
    %get3A = arith.constant 0 : index
    %get3A_0 = arith.constant 0 : index
    %get3A_1 = vector.load %arg1[%get3A, %get3A_0] : memref<1000x128xf32, #tpu.memory_space<vmem>>, vector<1000x128xf32>
    %get3A_2 = arith.constant 0 : index
    %get3A_3 = arith.constant 0 : index
    %get3A_4 = arith.constant 0 : index
    %get3A_5 = vector.load %arg2[%get3A_2, %get3A_3, %get3A_4] : memref<1x1000x128xf32, #tpu.memory_space<vmem>>, vector<1x1000x128xf32>
    %get3A_6 = vector.shape_cast %get3A_5 : vector<1x1000x128xf32> to vector<1000x128xf32>
    %add3A = arith.addf %get3A_1, %get3A_6 : vector<1000x128xf32>
    %get3A_7 = arith.constant 0 : index
    %get3A_8 = arith.constant 0 : index
    %get3A_9 = arith.constant 0 : index
    %get3A_10 = vector.load %arg3[%get3A_7, %get3A_8, %get3A_9] : memref<1x1000x128xf32, #tpu.memory_space<vmem>>, vector<1x1000x128xf32>
    %get3A_11 = vector.shape_cast %get3A_10 : vector<1x1000x128xf32> to vector<1000x128xf32>
    %add3A_12 = arith.addf %add3A, %get3A_11 : vector<1000x128xf32>
    %get3A_13 = arith.constant 0 : index
    %get3A_14 = arith.constant 0 : index
    %get3A_15 = vector.load %arg4[%get3A_13, %get3A_14] : memref<128x128xf32, #tpu.memory_space<vmem>>, vector<128x128xf32>
    %dot_general3A = arith.constant dense<0.000000e+00> : vector<1000x128xf32>
    %dot_general3A_16 = tpu.matmul %add3A_12, %get3A_15, %dot_general3A {dimension_numbers = #tpu.dot_dimension_numbers<[1], [0], [0], [1], [0, 0, 1, 1], [], []>, transpose_lhs_hint = false} : vector<1000x128xf32>, vector<128x128xf32>, vector<1000x128xf32> -> vector<1000x128xf32>
    %get3A_17 = arith.constant 0 : index
    %get3A_18 = arith.constant 0 : index
    %get3A_19 = vector.load %arg5[%get3A_17, %get3A_18] : memref<1x128xf32, #tpu.memory_space<vmem>>, vector<1x128xf32>
    %add3A_20 = vector.broadcast %get3A_19 : vector<1x128xf32> to vector<1000x128xf32>
    %add3A_21 = arith.addf %dot_general3A_16, %add3A_20 : vector<1000x128xf32>
    %max3A = arith.constant 0.000000e+00 : f32
    %max3A_22 = vector.broadcast %max3A : f32 to vector<1000x128xf32>
    %max3A_23 = arith.maximumf %add3A_21, %max3A_22 : vector<1000x128xf32>
    %get3A_24 = arith.constant 0 : index
    %get3A_25 = arith.constant 0 : index
    %get3A_26 = vector.load %arg6[%get3A_24, %get3A_25] : memref<128x128xf32, #tpu.memory_space<vmem>>, vector<128x128xf32>
    %dot_general3A_27 = arith.constant dense<0.000000e+00> : vector<1000x128xf32>
    %dot_general3A_28 = tpu.matmul %max3A_23, %get3A_26, %dot_general3A_27 {dimension_numbers = #tpu.dot_dimension_numbers<[1], [0], [0], [1], [0, 0, 1, 1], [], []>, transpose_lhs_hint = false} : vector<1000x128xf32>, vector<128x128xf32>, vector<1000x128xf32> -> vector<1000x128xf32>
    %get3A_29 = arith.constant 0 : index
    %get3A_30 = arith.constant 0 : index
    %get3A_31 = vector.load %arg7[%get3A_29, %get3A_30] : memref<1x128xf32, #tpu.memory_space<vmem>>, vector<1x128xf32>
    %add3A_32 = vector.broadcast %get3A_31 : vector<1x128xf32> to vector<1000x128xf32>
    %add3A_33 = arith.addf %dot_general3A_28, %add3A_32 : vector<1000x128xf32>
    %get3A_34 = arith.constant 0 : index
    %get3A_35 = arith.constant 0 : index
    %get3A_36 = vector.load %arg1[%get3A_34, %get3A_35] : memref<1000x128xf32, #tpu.memory_space<vmem>>, vector<1000x128xf32>
    %add3A_37 = arith.addf %add3A_33, %get3A_36 : vector<1000x128xf32>
    %swap3A = arith.constant 0 : index
    %swap3A_38 = arith.constant 0 : index
    %swap3A_39 = vector.load %arg8[%swap3A, %swap3A_38] : memref<1000x128xf32, #tpu.memory_space<vmem>>, vector<1000x128xf32>
    tpu.vector_store %arg8[%swap3A, %swap3A_38], %add3A_37 {strides = array<i32>} : memref<1000x128xf32, #tpu.memory_space<vmem>>, vector<1000x128xf32>,
    return
  }
  func.func @transform_0(%arg0: i32) -> (i32, i32) {
    %c0_i32 = arith.constant 0 : i32
    %c0_i32_0 = arith.constant 0 : i32
    return %arg0, %c0_i32 : i32, i32
  }
  func.func @transform_1(%arg0: i32) -> (i32, i32, i32) {
    %c0_i32 = arith.constant 0 : i32
    %c0_i32_0 = arith.constant 0 : i32
    %c0_i32_1 = arith.constant 0 : i32
    return %c0_i32, %arg0, %c0_i32_0 : i32, i32, i32
  }
  func.func @transform_2(%arg0: i32) -> (i32, i32, i32) {
    %c1_i32 = arith.constant 1 : i32
    %c0_i32 = arith.constant 0 : i32
    %c0_i32_0 = arith.constant 0 : i32
    return %c1_i32, %arg0, %c0_i32 : i32, i32, i32
  }
  func.func @transform_3(%arg0: i32) -> (i32, i32) {
    %c0_i32 = arith.constant 0 : i32
    %c0_i32_0 = arith.constant 0 : i32
    %c0_i32_1 = arith.constant 0 : i32
    return %c0_i32, %c0_i32_0 : i32, i32
  }
  func.func @transform_4(%arg0: i32) -> (i32, i32) {
    %c0_i32 = arith.constant 0 : i32
    %c0_i32_0 = arith.constant 0 : i32
    %c0_i32_1 = arith.constant 0 : i32
    return %c0_i32, %c0_i32_0 : i32, i32
  }
  func.func @transform_5(%arg0: i32) -> (i32, i32) {
    %c0_i32 = arith.constant 0 : i32
    %c0_i32_0 = arith.constant 0 : i32
    %c0_i32_1 = arith.constant 0 : i32
    return %c0_i32, %c0_i32_0 : i32, i32
  }
  func.func @transform_6(%arg0: i32) -> (i32, i32) {
    %c0_i32 = arith.constant 0 : i32
    %c0_i32_0 = arith.constant 0 : i32
    %c0_i32_1 = arith.constant 0 : i32
    return %c0_i32, %c0_i32_0 : i32, i32
  }
  func.func @transform_7(%arg0: i32) -> (i32, i32) {
    %c0_i32 = arith.constant 0 : i32
    %c0_i32_0 = arith.constant 0 : i32
    return %arg0, %c0_i32 : i32, i32
  }
}

</mosaic_0001>

<sc_bundles>
// kernel: kernel.10.cloned.1.call-start
scs
__scs_entry_jumppad:
0x0: {  	(pc) =	sbr.rel $0x88, $3  }
0x1: {  	(tag) =	ssettag $0x0;
	lr =	simm.s32 $0x1  }
0x2: {  	[smem:$0x3F93] =	sst lr;
	_ =	strace $0xD0000000  }
0x3: {  	_ = 	snop  }
0x4: {  	_ = 	snop  }
0x5: {  	_ = 	snop  }
0x6: {  	_ = 	snop  }
0x7: {  	_ = 	snop  }
__scs_overlays_trampoline_lowered:
0x8: {  	[smem:$0x3FA2] =	sst s0  }
0x9: {  	[smem:$0x3FA3] =	sst s1  }
0xa: {  	[smem:$0x3FA4] =	sst s2  }
0xb: {  	[smem:$0x3FA5] =	sst s3  }
0xc: {  	[smem:$0x3FA6] =	sst s4  }
0xd: {  	[smem:$0x3FA7] =	sst s5  }
0xe: {  	[smem:$0x3FA8] =	sst s6  }
0xf: {  	[smem:$0x3FA9] =	sst s7  }
0x10: {  	[smem:$0x3FAA] =	sst s8  }
0x11: {  	[smem:$0x3FAB] =	sst s9;
	s0 =	simm.s32 @!p0 $0x0  }
0x12: {  	s1 =	sld [smem:$0x3F91];
	s0 =	simm.s32 @p0 $0x1  }
0x13: {  	[smem:$0x3FAC] =	sst s0;
	s0 =	simm.s32 @!p1 $0x0  }
0x14: {  	s2 =	sld [smem:$0x3F90];
	s0 =	simm.s32 @p1 $0x1  }
0x15: {  	[smem:$0x3FAD] =	sst s0;
	s0 =	simm.s32 @!p2 $0x0  }
0x16: {  	s3 =	sld [smem:$0x3FDB];
	s0 =	simm.s32 @p2 $0x1  }
0x17: {  	s4 =	simm.s32 $0x1BF5;
	[smem:$0x3FAF] =	sst s0  }
0x18: {  	s0 =	sld [smem:$0x3F92];
	_ =	swait.ge [sflag:s4], $0x0  }
0x19: {  	s7 =	sld [smem:$0x3F93]  }
0x1a: {  	s8 =	sadd.s32 $0xFFFFE003, lr  }
0x1b: {  	s9 =	sadd.s32 $0xFFFFFEF7, lr;
	s5 =	simm.s32 $0xFFFFFFFF;
	p2 =	slt.u32 s8, $0xFFFFF086  }
0x1c: {  	p1 =	slt.u32 s9, $0xF7A;
	s5 =	simm.s32 @!p2 $0x0  }
0x1d: {  	s5 =	simm.s32 @p1 $0x1;
	p0 =	seq.s32 s7, s2  }
0x1e: {  	s7 =	smul.u32 @!p0 $0xF7A, s2;
	p2 =	seq.s32 @!p0 s5, $0x0  }
0x1f: {  	s9 =	smul.u32 $0xF7A, s1;
	s8 =	simm.s32 @!p0 $0x1BF5;
	p2 =	por !p2, p0  }
0x20: {  	[sflag:s8] =	ssyncset.s32 @!p0 $0xFFFFF086;
	s6 =	sadd.s32 @!p0 s3, s7;
	s7 =	simm.s32 @!p0 $0x108  }
0x21: {  	s3 =	sadd.s32 s3, s9;
	s6 =	sadd.s32 @!p0 $0x88, s6;
	s7 =	simm.s32 @p2 $0x1082  }
0x22: {  	[simem:s7], [sflag:s8] =	dma.local @!p0 [hbm:s6], $0xF7A  }
0x23: {  	s9 =	sor.u32 $0xD0000000, s2;
	s6 =	simm.s32 $0x108;
	_ =	swait.ge @!p0 [sflag:s8], $0x0  }
0x24: {  	s3 =	sadd.s32 $0x88, s3;
	s6 =	simm.s32 @!p1 $0x1082;
	[sflag:s4] =	ssyncset.s32 $0xFFFFF086  }
0x25: {  	[simem:s6], [sflag:s4] =	dma.local [hbm:s3], $0xF7A  }
0x26: {  	[smem:$0x3F93] =	sst s1;
	(tag) =	ssettag s2;
	_ =	strace s9  }
0x27: {  	s1 =	sld [smem:$0x3FA3]  }
0x28: {  	s2 =	sld [smem:$0x3FA4]  }
0x29: {  	s4 =	sld [smem:$0x3FA6]  }
0x2a: {  	p0 =	seq.s32 s5, $0x0;
	s5 =	sld [smem:$0x3FA7]  }
0x2b: {  	s6 =	sld [smem:$0x3FA8]  }
0x2c: {  	s7 =	sld [smem:$0x3FA9]  }
0x2d: {  	s3 =	simm.s32 $0x108;
	s8 =	sld [smem:$0x3FAA]  }
0x2e: {  	s3 =	simm.s32 @!p0 $0x1082;
	s9 =	sld [smem:$0x3FAB]  }
0x2f: {  	lr =	sadd.s32 s0, s3;
	s0 =	sld [smem:$0x3FA2]  }
0x30: {  	s3 =	sld [smem:$0x3FA5]  }
0x31: {  	[smem:$0x3FAE] =	sst s10  }
0x32: {  	s10 =	sld [smem:$0x3FAC];
	_ =	sdelay $0x3  }
0x33: {  	p0 =	seq.s32 s10, $0x1;
	s10 =	sld [smem:$0x3FAE];
	_ =	sdelay $0x3  }
0x34: {  	[smem:$0x3FAE] =	sst s10  }
0x35: {  	s10 =	sld [smem:$0x3FAD];
	_ =	sdelay $0x3  }
0x36: {  	p1 =	seq.s32 s10, $0x1;
	s10 =	sld [smem:$0x3FAE];
	_ =	sdelay $0x3  }
0x37: {  	[smem:$0x3FAE] =	sst s10  }
0x38: {  	s10 =	sld [smem:$0x3FAF]  }
0x39: {  	_ = 	snop;
	(pc) =	sbr.ind lr, $3  }
0x3a: {  	_ = 	snop  }
0x3b: {  	_ = 	snop  }
0x3c: {  	p2 =	seq.s32 s10, $0x1;
	s10 =	sld [smem:$0x3FAE]  }
0x3d: {  	_ =	shalt  }
0x3e: {  	_ =	shalt  }
0x3f: {  	_ =	shalt  }
0x40: {  	_ =	shalt  }
0x41: {  	_ =	shalt  }
0x42: {  	_ =	shalt  }
0x43: {  	_ =	shalt  }
0x44: {  	_ =	shalt  }
0x45: {  	_ =	shalt  }
0x46: {  	_ =	shalt  }
0x47: {  	_ =	shalt  }
0x48: {  	_ =	shalt  }
0x49: {  	_ =	shalt  }
0x4a: {  	_ =	shalt  }
0x4b: {  	_ =	shalt  }
0x4c: {  	_ =	shalt  }
0x4d: {  	_ =	shalt  }
0x4e: {  	_ =	shalt  }
0x4f: {  	_ =	shalt  }
0x50: {  	_ =	shalt  }
0x51: {  	_ =	shalt  }
0x52: {  	_ =	shalt  }
0x53: {  	_ =	shalt  }
0x54: {  	_ =	shalt  }
0x55: {  	_ =	shalt  }
0x56: {  	_ =	shalt  }
0x57: {  	_ =	shalt  }
0x58: {  	_ =	shalt  }
0x59: {  	_ =	shalt  }
0x5a: {  	_ =	shalt  }
0x5b: {  	_ =	shalt  }
0x5c: {  	_ =	shalt  }
0x5d: {  	_ =	shalt  }
0x5e: {  	_ =	shalt  }
0x5f: {  	_ =	shalt  }
0x60: {  	_ =	shalt  }
0x61: {  	_ =	shalt  }
0x62: {  	_ =	shalt  }
0x63: {  	_ =	shalt  }
0x64: {  	_ =	shalt  }
0x65: {  	_ =	shalt  }
0x66: {  	_ =	shalt  }
0x67: {  	_ =	shalt  }
0x68: {  	_ =	shalt  }
0x69: {  	_ =	shalt  }
0x6a: {  	_ =	shalt  }
0x6b: {  	_ =	shalt  }
0x6c: {  	_ =	shalt  }
0x6d: {  	_ =	shalt  }
0x6e: {  	_ =	shalt  }
0x6f: {  	_ =	shalt  }
0x70: {  	_ =	shalt  }
0x71: {  	_ =	shalt  }
0x72: {  	_ =	shalt  }
0x73: {  	_ =	shalt  }
0x74: {  	_ =	shalt  }
0x75: {  	_ =	shalt  }
0x76: {  	_ =	shalt  }
0x77: {  	_ =	shalt  }
0x78: {  	_ =	shalt  }
0x79: {  	_ =	shalt  }
0x7a: {  	_ =	shalt  }
0x7b: {  	_ =	shalt  }
0x7c: {  	_ =	shalt  }
0x7d: {  	_ =	shalt  }
0x7e: {  	_ =	shalt  }
0x7f: {  	_ =	shalt  }
0x80: {  	_ =	shalt  }
0x81: {  	_ =	shalt  }
0x82: {  	_ =	shalt  }
0x83: {  	_ =	shalt  }
0x84: {  	_ =	shalt  }
0x85: {  	_ =	shalt  }
0x86: {  	_ =	shalt  }
0x87: {  	_ =	shalt  }
.Lfunc_end0:
.L_simem_size_0:
called_computation.1_lowered:
.L_overlay_start_0:
0x88: {  	s2 =	sld [smem:$0x3FD9]  }
0x89: {  	s3 =	sld [smem:$0x3FFE];
	_ =	sdelay $0x1  }
0x8a: {  	s1 =	srdreg.scid  }
0x8b: {  	s0 =	sand.u32 $0x1, s1  }
0x8c: {  	s17 =	sshll.u32 s0, $0xA;
	s2 =	sadd.s32 s3, s2  }
0x8d: {  	s2 =	sadd.s32 s2, s17  }
0x8e: {  	[smem:$0x3FBA] =	sst s2  }
0x8f: {  	_ = 	snop  }
0x90: {  	s2 =	sld [smem:$0x3FC4]  }
0x91: {  	s18 =	sld [smem:$0x3FD0];
	(tm) =	ssettm $0x1  }
0x92: {  	s4 =	sld [smem:$0x3FFB];
	_ =	sdelay $0x3  }
0x93: {  	_ =	strace s4  }
0x94: {  	s4 =	sld [smem:$0x3FFC];
	_ =	sdelay $0x3  }
0x95: {  	_ =	strace s4  }
0x96: {  	s4 =	sld [smem:$0x3FFD];
	_ =	sdelay $0x3  }
0x97: {  	_ =	strace s4  }
0x98: {  	_ =	strace $0x8FFFFFFF  }
0x99: {  	s19 =	sld [smem:$0x3FDB];
	_ =	sdelay $0x1  }
0x9a: {  	s5 =	simm.s32 $_scs_section_size  }
0x9b: {  	s6 =	simm.s32 $_size__tile_overlayer_lowered;
	s7 =	simm.s32 $_tile_overlayer_lowered  }
0x9c: {  	s22 =	simm.s32 $0x1BFF;
	s21 =	sshll.u32 s7, $0x1;
	s4 =	sadd.s32 s5, s19  }
0x9d: {  	s8 =	simm.s32 $0x0;
	s20 =	sshll.u32 s6, $0x1;
	s6 =	sadd.s32 s21, s4  }
0x9e: {  	[timem:s8], [sflag:s22] =	dma.local [hbm:s6], s20  }
0x9f: {  	_ =	swait.ge [sflag:s22], s20  }
0xa0: {  	s5 =	ssub.s32 $0x0, s20;
	[sflag:s22] =	ssyncset.done $0x0  }
0xa1: {  	[sflag:s22] =	ssyncadd.s32 s5;
	_ =	sdelay $0x1  }
0xa2: {  	s23 =	simm.s32 $0x1B8B  }
0xa3: {  	_ =	swait.ge [sflag:s23], $0x1  }
0xa4: {  	[sflag:s23] =	ssyncset.done $0x0  }
0xa5: {  	s25 =	simm.s32 $0x1B8E;
	s24 =	sld [smem:$0x3FFE];
	[sflag:s23] =	ssyncadd.s32 $0xFFFFFFFF  }
0xa6: {  	s26 =	simm.s32 $execute0_lowered;
	[smem:$0x3FD2] =	sst s25  }
0xa7: {  	s6 =	sshll.u32 s26, $0x1;
	_ =	strace $0x80000049;
	[dreg:$0x1] =	wrdreg $0xFFFFFFFF  }
0xa8: {  	s28 =	simm.s32 $_size_execute0_lowered;
	s4 =	sadd.s32 s4, s6;
	[dreg:$0x0] =	wrdreg $0x0  }
0xa9: {  	s6 =	sshll.u32 s28, $0x1;
	[dreg:$0x2] =	wrdreg s4  }
0xaa: {  	[dreg:$0x3] =	wrdreg s6  }
0xab: {  	[dreg:$0x4] =	wrdreg $0xC0  }
0xac: {  	_ =	task [dreg:s8], $0x5FFFF  }
0xad: {  	[dreg:$0x1] =	wrdreg $0xFFFFFFFF  }
0xae: {  	[dreg:$0x0] =	wrdreg $0x60  }
0xaf: {  	[dreg:$0x2] =	wrdreg s18  }
0xb0: {  	[dreg:$0x3] =	wrdreg s24  }
0xb1: {  	[dreg:$0x4] =	wrdreg s2  }
0xb2: {  	[dreg:$0x5] =	wrdreg $0x81800  }
0xb3: {  	[dreg:$0x6] =	wrdreg $0x84A00  }
0xb4: {  	[dreg:$0x7] =	wrdreg $0x9  }
0xb5: {  	_ =	task.clear_ibuf [dreg:s8], $0x8FFFF;
	_ =	strace $0x90000049  }
0xb6: {  	s29 =	simm.s32 $0x9;
	_ =	strace $0x8000004B  }
0xb7: {  	_ =	swait.ge [sflag:s29], $0x1  }
0xb8: {  	[sflag:s29] =	ssyncadd.s32 $0xFFFFFFFF  }
0xb9: {  	_ =	strace $0x9000004B  }
0xba: {  	_ =	sfence  }
0xbb: {  	s30 =	sld [smem:$0x0];
	_ =	sdelay $0x2  }
0xbc: {  	s31 =	sshll.u32 s1, $0xD;
	s1 =	sshrl.u32 s1, $0x2  }
0xbd: {  	s3 =	sand.u32 $0x4000, s31;
	s1 =	sadd.s32 s1, s30  }
0xbe: {  	s0 =	sor.u32 s3, s0;
	s1 =	sshll.u32 s1, $0x11  }
0xbf: {  	s0 =	sor.u32 s1, s0  }
0xc0: {  	s0 =	sadd.s32 $0x8F2B, s0  }
0xc1: {  	[sflag:s0] =	ssyncadd.remote.s32 $0x1  }
0xc2: {  	_ =	sfence.sel $0xFFFF  }
0xc3: {  	[dreg:$0x0] =	wrdreg $0xFFFFFFFF;
	(pc) =	sbr.abs _section_cstart, $3  }
0xc4: {  	[dreg:$0x1] =	wrdreg $0xFFFFFFFF  }
0xc5: {  	_ =	task.clear_ibuf [dreg:s8], $0x2FFFF;
	_ =	strace $0x9FFFFFFF  }
0xc6: {  	(tm) =	ssettm $0x7FFFFFFF  }
0xc7: {  	_ =	shalt  }
tec
execute0_lowered:
.L_overlay_start_1:
0x0: {  	(tag) =	ssettag $0x1  }
0x1: {  	s1 =	rddreg [dreg:$0x0]  }
0x2: {  	s0 =	rddreg [dreg:$0x1]  }
0x3: {  	s3 =	rddreg [dreg:$0x3]  }
0x4: {  	s4 =	rddreg [dreg:$0x4];
	s5 =	simm.s32 $0x0;
	s2 =	srdreg.scid  }
0x5: {  	s21 =	stileid.u32;
	s28 =	simm.s32 $0x2;
	s29 =	simm.s32 $0x0  }
0x6: {  	s30 =	simm.s32 $0x0;
	[smem:$0x7FF] =	sst s5;
	s2 =	sand.u32 $0x1, s2  }
0x7: {  	s6 =	sadd.s32 $0xC800, s0;
	s10 =	smul.u32 $0x50000, s21;
	s7 =	sadd.s32 $0x2A00, s0  }
0x8: {  	s14 =	smul.u32 $0x14000, s21;
	s8 =	sadd.s32 $0x16600, s0;
	s0 =	sadd.s32 $0x20400, s0  }
0x9: {  	p0 =	sne.s32 s21, $0x0;
	_ =	strace $0x8000004A;
	s9 =	ssub.s32 $0x2, s2  }
0xa: {  	s22 =	smul.u32 $0x140000, s2;
	s2 =	sshll.u32 s2, $0x4;
	s11 =	sshrl.u32 s9, $0x1  }
0xb: {  	s23 =	sshrl.u32 s10, $0x2;
	s15 =	sadd.s32 $0x4000, s14;
	s17 =	sadd.s32 $0x8000, s14  }
0xc: {  	s18 =	sadd.s32 $0xC000, s14;
	s19 =	sadd.s32 $0x10000, s14;
	s2 =	sor.u32 s21, s2  }
0xd: {  	s21 =	simm.s32 $0x180;
	s20 =	ssub.s32 s9, s11;
	s9 =	sadd.s32 s23, s4  }
0xe: {  	s10 =	sadd.s32 s15, s4;
	s11 =	sadd.s32 s17, s4;
	s12 =	sadd.s32 s18, s4  }
0xf: {  	s13 =	sadd.s32 s19, s4;
	s16 =	sadd.s32 s14, s22;
	s15 =	sadd.s32 s22, s15  }
0x10: {  	s14 =	smul.u32 $0x4F, s2;
	s26 =	sadd.s32 s22, s17;
	s18 =	sadd.s32 s22, s18  }
0x11: {  	s19 =	sadd.s32 s22, s19;
	s22 =	simm.s32 $0x3;
	s23 =	simm.s32 $0x80  }
0x12: {  	s24 =	sshrl.u32 s16, $0x3;
	s25 =	sshrl.u32 s15, $0x3;
	s31 =	sshrl.u32 s18, $0x3  }
0x13: {  	s19 =	sshrl.u32 s19, $0x3;
	s20 =	smax.u32 s20, $0x1;
	s2 =	sadd.s32 s0, s24  }
0x14: {  	s16 =	sadd.s32 s0, s25;
	s18 =	sadd.s32 s0, s31;
	s19 =	sadd.s32 s0, s19  }
0x15: {  	s24 =	simm.s32 $0x100;
	[dreg:$0x6] =	wrdreg s2;
	s2 =	sshrl.u32 s26, $0x3  }
0x16: {  	v0 =	vimm.f32 $0.0e+00;
	s25 =	simm.s32 $0x4180;
	s26 =	simm.s32 $0x1;
	s17 =	sadd.s32 s0, s2  }
.LBB2_1:
0x17: {  	s0 =	simm.s32 @!p0 $0x0;
	s2 =	simm.s32 @!p0 $0x180;
	s15 =	rddreg [dreg:$0x2]  }
0x18: {  	[tilespmem:s2], [sflag:$0x3] =	stream.linear.gather @!p0 [hbm4b:s15+s0], $0x3200, $0x38;
	[tilespmem:$0x1C4A0] =	vst v63  }
0x19: {  	s0 =	simm.s32 @!p0 $0x3  }
0x1a: {  	_ =	swait.ge @!p0 [sflag:s0], $0x3200  }
0x1b: {  	[sflag:s0] =	ssyncset.done @!p0 $0x0  }
0x1c: {  	[sflag:s0] =	ssyncadd.s32 @!p0 $0xFFFFCE00  }
0x1d: {  	[spmem:s3] =	stream.linear.scatter @!p0 [tilespmem:s2], [sflag:$0x3], $0x3200, $0x38;
	[tilespmem:$0x1C4A0] =	vst v63  }
0x1e: {  	_ =	swait.ge @!p0 [sflag:s0], $0x3200  }
0x1f: {  	[sflag:s0] =	ssyncset.done @!p0 $0x0  }
0x20: {  	s2 =	simm.s32 $0x200;
	[sflag:s0] =	ssyncadd.s32 @!p0 $0xFFFFCE00;
	s0 =	simm.s32 $0x0  }
.LBB2_2:
0x21: {  	p1 =	sne.s32 s2, $0xFE00;
	[tilespmem:s0+$0x1F0] =	vst v0  }
0x22: {  	[tilespmem:s0+$0x180] =	vst v0  }
0x23: {  	[tilespmem:s0+$0x190] =	vst v0  }
.Ltmp0:
0x24: {  	[tilespmem:s0+$0x1A0] =	vst v0;
	(pc) =	sbr.rel @p1 .LBB2_2-.Ltmp0, $4  }
0x25: {  	[tilespmem:s0+$0x1B0] =	vst v0  }
0x26: {  	[tilespmem:s0+$0x1C0] =	vst v0  }
0x27: {  	[tilespmem:s0+$0x1D0] =	vst v0  }
0x28: {  	[tilespmem:s0+$0x1E0] =	vst v0;
	s0 =	sshra.s32 s2, $0x2;
	s2 =	sadd.s32 $0x200, s2  }
0x29: {  	[tilespmem:s0+$0x1F0] =	vst v0  }
0x2a: {  	[tilespmem:s0+$0x180] =	vst v0  }
0x2b: {  	[tilespmem:s0+$0x190] =	vst v0  }
0x2c: {  	[tilespmem:s0+$0x1A0] =	vst v0  }
0x2d: {  	[tilespmem:s0+$0x1B0] =	vst v0  }
0x2e: {  	[tilespmem:s0+$0x1C0] =	vst v0  }
0x2f: {  	[tilespmem:s0+$0x1D0] =	vst v0  }
0x30: {  	[tilespmem:s0+$0x1E0] =	vst v0  }
0x31: {  	[spmem:s9] =	stream.linear.scatter [tilespmem:s21], [sflag:$0x3], $0x4000, $0x38;
	[tilespmem:$0x1C4A0] =	vst v63  }
0x32: {  	_ =	swait.ge [sflag:s22], $0x4000  }
0x33: {  	[sflag:s22] =	ssyncset.done $0x0  }
0x34: {  	[sflag:s22] =	ssyncadd.s32 $0xFFFFC000  }
0x35: {  	[spmem:s10] =	stream.linear.scatter [tilespmem:s21], [sflag:$0x3], $0x4000, $0x38;
	[tilespmem:$0x1C4A0] =	vst v63  }
0x36: {  	_ =	swait.ge [sflag:s22], $0x4000  }
0x37: {  	[sflag:s22] =	ssyncset.done $0x0  }
0x38: {  	[sflag:s22] =	ssyncadd.s32 $0xFFFFC000  }
0x39: {  	[spmem:s11] =	stream.linear.scatter [tilespmem:s21], [sflag:$0x3], $0x4000, $0x38;
	[tilespmem:$0x1C4A0] =	vst v63  }
0x3a: {  	_ =	swait.ge [sflag:s22], $0x4000  }
0x3b: {  	[sflag:s22] =	ssyncset.done $0x0  }
0x3c: {  	[sflag:s22] =	ssyncadd.s32 $0xFFFFC000  }
0x3d: {  	[spmem:s12] =	stream.linear.scatter [tilespmem:s21], [sflag:$0x3], $0x4000, $0x38;
	[tilespmem:$0x1C4A0] =	vst v63  }
0x3e: {  	_ =	swait.ge [sflag:s22], $0x4000  }
0x3f: {  	[sflag:s22] =	ssyncset.done $0x0  }
0x40: {  	[sflag:s22] =	ssyncadd.s32 $0xFFFFC000  }
0x41: {  	[spmem:s13] =	stream.linear.scatter [tilespmem:s21], [sflag:$0x3], $0x4000, $0x38;
	[tilespmem:$0x1C4A0] =	vst v63  }
0x42: {  	_ =	swait.ge [sflag:s22], $0x4000  }
0x43: {  	[sflag:s22] =	ssyncset.done $0x0  }
0x44: {  	[sflag:s22] =	ssyncadd.s32 $0xFFFFC000  }
0x45: {  	s31 =	simm.s32 $0x0;
	[bflag:$0x0] =	sbarrier.arrive $0xFFFF  }
.LBB2_4:
0x46: {  	s0 =	sadd.s32 s14, s31  }
0x47: {  	s0 =	sshll.u32 s0, $0x4  }
0x48: {  	s2 =	sadd.s32 s6, s0  }
0x49: {  	[tilespmem:s30], [sflag:$0x3] =	stream.linear.gather [hbm4b:s2+s30], $0x80, $0x38;
	[tilespmem:$0x1C4A0] =	vst v63  }
0x4a: {  	_ =	swait.ge [sflag:s22], $0x80  }
0x4b: {  	[sflag:s22] =	ssyncset.done $0x0  }
0x4c: {  	s15 =	sadd.s32 s8, s0;
	[sflag:s22] =	ssyncadd.s32 $0xFFFFFF80  }
0x4d: {  	[tilespmem:s23], [sflag:$0x3] =	stream.linear.gather [hbm4b:s15+s30], $0x80, $0x38;
	[tilespmem:$0x1C4A0] =	vst v63  }
0x4e: {  	_ =	swait.ge [sflag:s22], $0x80  }
0x4f: {  	[sflag:s22] =	ssyncset.done $0x0  }
0x50: {  	s0 =	sadd.s32 s7, s0;
	[sflag:s22] =	ssyncadd.s32 $0xFFFFFF80  }
0x51: {  	[tilespmem:s24], [sflag:$0x3] =	stream.linear.gather [hbm4b:s0+s30], $0x80, $0x38;
	[tilespmem:$0x1C4A0] =	vst v63  }
0x52: {  	_ =	swait.ge [sflag:s22], $0x80  }
0x53: {  	[sflag:s22] =	ssyncset.done $0x0  }
0x54: {  	[sflag:s22] =	ssyncadd.s32 $0xFFFFFF80  }
0x55: {  	[tilespmem:s21], [sflag:$0x1] =	stream.indirect.gather [hbm4b:s1+s23], $0x80, s30, s23, $0xb8;
	[tilespmem:$0x1C4A0] =	vst v63  }
0x56: {  	_ = 	snop  }
0x57: {  	[tilespmem:s25], [sflag:$0x2] =	stream.indirect.gather [spmem:s3], $0x80, s23, s23, $0xb8;
	[tilespmem:$0x1C4A0] =	vst v63  }
0x58: {  	_ =	swait.ge [sflag:s26], $0x4000  }
0x59: {  	[sflag:s26] =	ssyncset.done $0x0  }
0x5a: {  	[sflag:s26] =	ssyncadd.s32 $0xFFFFC000  }
0x5b: {  	_ =	swait.ge [sflag:s28], $0x4000  }
0x5c: {  	[sflag:s28] =	ssyncset.done $0x0  }
0x5d: {  	s0 =	simm.s32 $0x0;
	[sflag:s28] =	ssyncadd.s32 $0xFFFFC000  }
0x5e: {  	v7 =	vld [tilespmem:s0+$0x4180]  }
0x5f: {  	v12 =	vld [tilespmem:s0+$0x4190]  }
0x60: {  	v6 =	vld [tilespmem:s0+$0x41A0]  }
0x61: {  	v5 =	vld [tilespmem:s0+$0x41B0]  }
0x62: {  	v4 =	vld [tilespmem:s0+$0x41C0]  }
0x63: {  	v3 =	vld [tilespmem:s0+$0x41D0]  }
0x64: {  	v2 =	vld [tilespmem:s0+$0x41E0]  }
0x65: {  	v1 =	vld [tilespmem:s0+$0x41F0]  }
0x66: {  	v13 =	vld [tilespmem:s0+$0x180]  }
0x67: {  	v14 =	vld [tilespmem:s0+$0x190]  }
0x68: {  	v11 =	vld [tilespmem:s0+$0x1A0]  }
0x69: {  	v10 =	vld [tilespmem:s0+$0x1B0]  }
0x6a: {  	v9 =	vld [tilespmem:s0+$0x1C0]  }
0x6b: {  	v8 =	vld [tilespmem:s0+$0x1D0];
	v13 =	vadd.f32 v7, v13  }
0x6c: {  	s2 =	simm.s32 $0x200;
	v12 =	vadd.f32 v12, v14;
	v7 =	vld [tilespmem:s0+$0x1E0]  }
.LBB2_5:
0x6d: {  	s15 =	sshra.s32 s2, $0x2;
	p1 =	sne.s32 s2, $0xFE00;
	v13 =	vmax.f32 v13, $0.0e+00;
	v6 =	vadd.f32 v6, v11;
	v11 =	vld [tilespmem:s0+$0x1F0]  }
0x6e: {  	v14 =	vld [tilespmem:s15+$0x4180];
	[tilespmem:s0+$0x180] =	vst v13;
	v12 =	vmax.f32 v12, $0.0e+00;
	v5 =	vadd.f32 v5, v10  }
0x6f: {  	v15 =	vld [tilespmem:s15+$0x4190];
	[tilespmem:s0+$0x190] =	vst v12;
	v10 =	vmax.f32 v6, $0.0e+00;
	v4 =	vadd.f32 v4, v9  }
0x70: {  	v6 =	vld [tilespmem:s15+$0x41A0];
	[tilespmem:s0+$0x1A0] =	vst v10;
	v9 =	vmax.f32 v5, $0.0e+00;
	v3 =	vadd.f32 v3, v8  }
0x71: {  	v5 =	vld [tilespmem:s15+$0x41B0];
	[tilespmem:s0+$0x1B0] =	vst v9;
	v8 =	vmax.f32 v4, $0.0e+00;
	v2 =	vadd.f32 v2, v7  }
0x72: {  	v4 =	vld [tilespmem:s15+$0x41C0];
	[tilespmem:s0+$0x1C0] =	vst v8;
	v7 =	vmax.f32 v3, $0.0e+00;
	v1 =	vadd.f32 v1, v11  }
0x73: {  	v3 =	vld [tilespmem:s15+$0x41D0];
	[tilespmem:s0+$0x1D0] =	vst v7;
	v7 =	vmax.f32 v2, $0.0e+00  }
0x74: {  	v2 =	vld [tilespmem:s15+$0x41E0];
	[tilespmem:s0+$0x1E0] =	vst v7;
	v7 =	vmax.f32 v1, $0.0e+00  }
0x75: {  	v1 =	vld [tilespmem:s15+$0x41F0];
	[tilespmem:s0+$0x1F0] =	vst v7;
	s0 =	smov.u32 s15  }
0x76: {  	v7 =	vld [tilespmem:s0+$0x180]  }
0x77: {  	v12 =	vld [tilespmem:s0+$0x190]  }
.Ltmp1:
0x78: {  	v11 =	vld [tilespmem:s0+$0x1A0];
	(pc) =	sbr.rel @p1 .LBB2_5-.Ltmp1, $4  }
0x79: {  	v10 =	vld [tilespmem:s0+$0x1B0]  }
0x7a: {  	v9 =	vld [tilespmem:s0+$0x1C0]  }
0x7b: {  	v13 =	vadd.f32 v14, v7;
	v8 =	vld [tilespmem:s0+$0x1D0]  }
0x7c: {  	s2 =	sadd.s32 $0x200, s2;
	v12 =	vadd.f32 v15, v12;
	v7 =	vld [tilespmem:s0+$0x1E0]  }
0x7d: {  	v13 =	vmax.f32 v13, $0.0e+00;
	v6 =	vadd.f32 v6, v11;
	v63 =	vld [tilespmem:s0+$0x1F0]  }
0x7e: {  	[tilespmem:s0+$0x180] =	vst v13;
	v12 =	vmax.f32 v12, $0.0e+00;
	v5 =	vadd.f32 v5, v10  }
0x7f: {  	[tilespmem:s0+$0x190] =	vst v12;
	v6 =	vmax.f32 v6, $0.0e+00;
	v4 =	vadd.f32 v4, v9  }
0x80: {  	[tilespmem:s0+$0x1A0] =	vst v6;
	v5 =	vmax.f32 v5, $0.0e+00;
	v3 =	vadd.f32 v3, v8  }
0x81: {  	[tilespmem:s0+$0x1B0] =	vst v5;
	v4 =	vmax.f32 v4, $0.0e+00;
	v2 =	vadd.f32 v2, v7  }
0x82: {  	[tilespmem:s0+$0x1C0] =	vst v4;
	v3 =	vmax.f32 v3, $0.0e+00;
	v1 =	vadd.f32 v1, v63  }
0x83: {  	s31 =	sadd.s32 $0x1, s31;
	[tilespmem:s0+$0x1D0] =	vst v3;
	v2 =	vmax.f32 v2, $0.0e+00  }
0x84: {  	p1 =	sne.s32 s31, $0x4F;
	[tilespmem:s0+$0x1E0] =	vst v2;
	v1 =	vmax.f32 v1, $0.0e+00  }
.Ltmp2:
0x85: {  	[tilespmem:s0+$0x1F0] =	vst v1;
	(pc) =	sbr.rel @p1 .LBB2_4-.Ltmp2, $4  }
0x86: {  	[spmem:s4] =	stream.indirect.scatter.add.f32 [tilespmem:s21], [sflag:$0x3], $0x80, s24, s23, $0xb8;
	[tilespmem:$0x1C4A0] =	vst v63  }
0x87: {  	_ =	swait.ge [sflag:s22], $0x4000  }
0x88: {  	[sflag:s22] =	ssyncset.done $0x0  }
0x89: {  	[sflag:s22] =	ssyncadd.s32 $0xFFFFC000  }
0x8a: {  	[bflag:$0x0] =	sbarrier.arrive $0xFFFF  }
0x8b: {  	[tilespmem:s21], [sflag:$0x3] =	stream.linear.gather [spmem:s9], $0x4000, $0x38;
	[tilespmem:$0x1C4A0] =	vst v63  }
0x8c: {  	_ =	swait.ge [sflag:s22], $0x4000  }
0x8d: {  	[sflag:s22] =	ssyncset.done $0x0  }
0x8e: {  	s0 =	rddreg [dreg:$0x6];
	[sflag:s22] =	ssyncadd.s32 $0xFFFFC000  }
0x8f: {  	[hbm4b:s0+s5] =	stream.linear.scatter [tilespmem:s21], [sflag:$0x3], $0x4000, $0x38;
	[tilespmem:$0x1C4A0] =	vst v63  }
0x90: {  	_ =	swait.ge [sflag:s22], $0x4000  }
0x91: {  	[sflag:s22] =	ssyncset.done $0x0  }
0x92: {  	[sflag:s22] =	ssyncadd.s32 $0xFFFFC000  }
0x93: {  	[tilespmem:s21], [sflag:$0x3] =	stream.linear.gather [spmem:s10], $0x4000, $0x38;
	[tilespmem:$0x1C4A0] =	vst v63  }
0x94: {  	_ =	swait.ge [sflag:s22], $0x4000  }
0x95: {  	[sflag:s22] =	ssyncset.done $0x0  }
0x96: {  	[sflag:s22] =	ssyncadd.s32 $0xFFFFC000  }
0x97: {  	[hbm4b:s16+s5] =	stream.linear.scatter [tilespmem:s21], [sflag:$0x3], $0x4000, $0x38;
	[tilespmem:$0x1C4A0] =	vst v63  }
0x98: {  	_ =	swait.ge [sflag:s22], $0x4000  }
0x99: {  	[sflag:s22] =	ssyncset.done $0x0  }
0x9a: {  	[sflag:s22] =	ssyncadd.s32 $0xFFFFC000  }
0x9b: {  	[tilespmem:s21], [sflag:$0x3] =	stream.linear.gather [spmem:s11], $0x4000, $0x38;
	[tilespmem:$0x1C4A0] =	vst v63  }
0x9c: {  	_ =	swait.ge [sflag:s22], $0x4000  }
0x9d: {  	[sflag:s22] =	ssyncset.done $0x0  }
0x9e: {  	[sflag:s22] =	ssyncadd.s32 $0xFFFFC000  }
0x9f: {  	[hbm4b:s17+s5] =	stream.linear.scatter [tilespmem:s21], [sflag:$0x3], $0x4000, $0x38;
	[tilespmem:$0x1C4A0] =	vst v63  }
0xa0: {  	_ =	swait.ge [sflag:s22], $0x4000  }
0xa1: {  	[sflag:s22] =	ssyncset.done $0x0  }
0xa2: {  	[sflag:s22] =	ssyncadd.s32 $0xFFFFC000  }
0xa3: {  	[tilespmem:s21], [sflag:$0x3] =	stream.linear.gather [spmem:s12], $0x4000, $0x38;
	[tilespmem:$0x1C4A0] =	vst v63  }
0xa4: {  	_ =	swait.ge [sflag:s22], $0x4000  }
0xa5: {  	[sflag:s22] =	ssyncset.done $0x0  }
0xa6: {  	[sflag:s22] =	ssyncadd.s32 $0xFFFFC000  }
0xa7: {  	[hbm4b:s18+s5] =	stream.linear.scatter [tilespmem:s21], [sflag:$0x3], $0x4000, $0x38;
	[tilespmem:$0x1C4A0] =	vst v63  }
0xa8: {  	_ =	swait.ge [sflag:s22], $0x4000  }
0xa9: {  	[sflag:s22] =	ssyncset.done $0x0  }
0xaa: {  	[sflag:s22] =	ssyncadd.s32 $0xFFFFC000  }
0xab: {  	[tilespmem:s21], [sflag:$0x3] =	stream.linear.gather [spmem:s13], $0x4000, $0x38;
	[tilespmem:$0x1C4A0] =	vst v63  }
0xac: {  	s29 =	sadd.s32 $0x1, s29;
	_ =	swait.ge [sflag:s22], $0x4000  }
0xad: {  	p1 =	sne.s32 s29, s20;
	[sflag:s22] =	ssyncset.done $0x0  }
.Ltmp3:
0xae: {  	[sflag:s22] =	ssyncadd.s32 $0xFFFFC000;
	(pc) =	sbr.rel @p1 .LBB2_1-.Ltmp3, $4  }
0xaf: {  	[hbm4b:s19+s5] =	stream.linear.scatter [tilespmem:s21], [sflag:$0x3], $0x4000, $0x38;
	[tilespmem:$0x1C4A0] =	vst v63  }
0xb0: {  	_ =	swait.ge [sflag:s22], $0x4000  }
0xb1: {  	[sflag:s22] =	ssyncset.done $0x0  }
0xb2: {  	[sflag:s22] =	ssyncadd.s32 $0xFFFFC000  }
0xb3: {  	_ =	sfence.sel $0x180000  }
0xb4: {  	[bflag:$0x0] =	sbarrier.arrive $0xFFFF  }
0xb5: {  	_ =	strace $0x9000004A  }
0xb6: {  	[bflag:$0x2] =	sbarrier.arrive $0xFFFF  }
0xb7: {  	s0 =	rddreg [dreg:$0x5]  }
0xb8: {  	s0 =	sadd.s32 @!p0 $0x100000, s0  }
0xb9: {  	[sflag:s0] =	ssyncadd.tile.s32 @!p0 $0x1;
	_ =	shalt  }
.Lfunc_end2:
_tile_overlayer_lowered:
.L_overlay_start_2:
0xba: {  	(tag) =	ssettag $0x2  }
0xbb: {  	s0 =	rddreg [dreg:$0x0];
	s2 =	stileid.u32  }
0xbc: {  	s1 =	rddreg [dreg:$0x1];
	p0 =	sne.s32 s2, $0x0  }
0xbd: {  	s3 =	rddreg [dreg:$0x2];
	[bflag:$0x3] =	sbarrier.arrive $0xFFFF;
	s2 =	simm.s32 @!p0 $0x1C03  }
0xbe: {  	[timem:s3], [sflag:s2] =	dma.local @!p0 [hbm:s0], s1  }
0xbf: {  	s0 =	simm.s32 @!p0 $0x3  }
0xc0: {  	_ =	swait.ge @!p0 [sflag:s0], s1  }
0xc1: {  	s1 =	ssub.s32 @!p0 $0x0, s1;
	[sflag:s0] =	ssyncset.done @!p0 $0x0  }
0xc2: {  	[sflag:s0] =	ssyncadd.s32 @!p0 s1  }
0xc3: {  	[bflag:$0x3] =	sbarrier.arrive $0xFFFF  }
0xc4: {  	_ =	shalt  }

// kernel: kernel.7.cloned.1.call-start
scs
__scs_entry_jumppad:
0x0: {  	(pc) =	sbr.rel $0x88, $3  }
0x1: {  	(tag) =	ssettag $0x0;
	lr =	simm.s32 $0x1  }
0x2: {  	[smem:$0x3F93] =	sst lr;
	_ =	strace $0xD0000000  }
0x3: {  	_ = 	snop  }
0x4: {  	_ = 	snop  }
0x5: {  	_ = 	snop  }
0x6: {  	_ = 	snop  }
0x7: {  	_ = 	snop  }
__scs_overlays_trampoline_lowered:
0x8: {  	[smem:$0x3FA2] =	sst s0  }
0x9: {  	[smem:$0x3FA3] =	sst s1  }
0xa: {  	[smem:$0x3FA4] =	sst s2  }
0xb: {  	[smem:$0x3FA5] =	sst s3  }
0xc: {  	[smem:$0x3FA6] =	sst s4  }
0xd: {  	[smem:$0x3FA7] =	sst s5  }
0xe: {  	[smem:$0x3FA8] =	sst s6  }
0xf: {  	[smem:$0x3FA9] =	sst s7  }
0x10: {  	[smem:$0x3FAA] =	sst s8  }
0x11: {  	[smem:$0x3FAB] =	sst s9;
	s0 =	simm.s32 @!p0 $0x0  }
0x12: {  	s1 =	sld [smem:$0x3F91];
	s0 =	simm.s32 @p0 $0x1  }
0x13: {  	[smem:$0x3FAC] =	sst s0;
	s0 =	simm.s32 @!p1 $0x0  }
0x14: {  	s2 =	sld [smem:$0x3F90];
	s0 =	simm.s32 @p1 $0x1  }
0x15: {  	[smem:$0x3FAD] =	sst s0;
	s0 =	simm.s32 @!p2 $0x0  }
0x16: {  	s3 =	sld [smem:$0x3FDB];
	s0 =	simm.s32 @p2 $0x1  }
0x17: {  	s4 =	simm.s32 $0x1BF5;
	[smem:$0x3FAF] =	sst s0  }
0x18: {  	s0 =	sld [smem:$0x3F92];
	_ =	swait.ge [sflag:s4], $0x0  }
0x19: {  	s7 =	sld [smem:$0x3F93]  }
0x1a: {  	s8 =	sadd.s32 $0xFFFFE003, lr  }
0x1b: {  	s9 =	sadd.s32 $0xFFFFFEF7, lr;
	s5 =	simm.s32 $0xFFFFFFFF;
	p2 =	slt.u32 s8, $0xFFFFF086  }
0x1c: {  	p1 =	slt.u32 s9, $0xF7A;
	s5 =	simm.s32 @!p2 $0x0  }
0x1d: {  	s5 =	simm.s32 @p1 $0x1;
	p0 =	seq.s32 s7, s2  }
0x1e: {  	s7 =	smul.u32 @!p0 $0xF7A, s2;
	p2 =	seq.s32 @!p0 s5, $0x0  }
0x1f: {  	s9 =	smul.u32 $0xF7A, s1;
	s8 =	simm.s32 @!p0 $0x1BF5;
	p2 =	por !p2, p0  }
0x20: {  	[sflag:s8] =	ssyncset.s32 @!p0 $0xFFFFF086;
	s6 =	sadd.s32 @!p0 s3, s7;
	s7 =	simm.s32 @!p0 $0x108  }
0x21: {  	s3 =	sadd.s32 s3, s9;
	s6 =	sadd.s32 @!p0 $0x88, s6;
	s7 =	simm.s32 @p2 $0x1082  }
0x22: {  	[simem:s7], [sflag:s8] =	dma.local @!p0 [hbm:s6], $0xF7A  }
0x23: {  	s9 =	sor.u32 $0xD0000000, s2;
	s6 =	simm.s32 $0x108;
	_ =	swait.ge @!p0 [sflag:s8], $0x0  }
0x24: {  	s3 =	sadd.s32 $0x88, s3;
	s6 =	simm.s32 @!p1 $0x1082;
	[sflag:s4] =	ssyncset.s32 $0xFFFFF086  }
0x25: {  	[simem:s6], [sflag:s4] =	dma.local [hbm:s3], $0xF7A  }
0x26: {  	[smem:$0x3F93] =	sst s1;
	(tag) =	ssettag s2;
	_ =	strace s9  }
0x27: {  	s1 =	sld [smem:$0x3FA3]  }
0x28: {  	s2 =	sld [smem:$0x3FA4]  }
0x29: {  	s4 =	sld [smem:$0x3FA6]  }
0x2a: {  	p0 =	seq.s32 s5, $0x0;
	s5 =	sld [smem:$0x3FA7]  }
0x2b: {  	s6 =	sld [smem:$0x3FA8]  }
0x2c: {  	s7 =	sld [smem:$0x3FA9]  }
0x2d: {  	s3 =	simm.s32 $0x108;
	s8 =	sld [smem:$0x3FAA]  }
0x2e: {  	s3 =	simm.s32 @!p0 $0x1082;
	s9 =	sld [smem:$0x3FAB]  }
0x2f: {  	lr =	sadd.s32 s0, s3;
	s0 =	sld [smem:$0x3FA2]  }
0x30: {  	s3 =	sld [smem:$0x3FA5]  }
0x31: {  	[smem:$0x3FAE] =	sst s10  }
0x32: {  	s10 =	sld [smem:$0x3FAC];
	_ =	sdelay $0x3  }
0x33: {  	p0 =	seq.s32 s10, $0x1;
	s10 =	sld [smem:$0x3FAE];
	_ =	sdelay $0x3  }
0x34: {  	[smem:$0x3FAE] =	sst s10  }
0x35: {  	s10 =	sld [smem:$0x3FAD];
	_ =	sdelay $0x3  }
0x36: {  	p1 =	seq.s32 s10, $0x1;
	s10 =	sld [smem:$0x3FAE];
	_ =	sdelay $0x3  }
0x37: {  	[smem:$0x3FAE] =	sst s10  }
0x38: {  	s10 =	sld [smem:$0x3FAF]  }
0x39: {  	_ = 	snop;
	(pc) =	sbr.ind lr, $3  }
0x3a: {  	_ = 	snop  }
0x3b: {  	_ = 	snop  }
0x3c: {  	p2 =	seq.s32 s10, $0x1;
	s10 =	sld [smem:$0x3FAE]  }
0x3d: {  	_ =	shalt  }
0x3e: {  	_ =	shalt  }
0x3f: {  	_ =	shalt  }
0x40: {  	_ =	shalt  }
0x41: {  	_ =	shalt  }
0x42: {  	_ =	shalt  }
0x43: {  	_ =	shalt  }
0x44: {  	_ =	shalt  }
0x45: {  	_ =	shalt  }
0x46: {  	_ =	shalt  }
0x47: {  	_ =	shalt  }
0x48: {  	_ =	shalt  }
0x49: {  	_ =	shalt  }
0x4a: {  	_ =	shalt  }
0x4b: {  	_ =	shalt  }
0x4c: {  	_ =	shalt  }
0x4d: {  	_ =	shalt  }
0x4e: {  	_ =	shalt  }
0x4f: {  	_ =	shalt  }
0x50: {  	_ =	shalt  }
0x51: {  	_ =	shalt  }
0x52: {  	_ =	shalt  }
0x53: {  	_ =	shalt  }
0x54: {  	_ =	shalt  }
0x55: {  	_ =	shalt  }
0x56: {  	_ =	shalt  }
0x57: {  	_ =	shalt  }
0x58: {  	_ =	shalt  }
0x59: {  	_ =	shalt  }
0x5a: {  	_ =	shalt  }
0x5b: {  	_ =	shalt  }
0x5c: {  	_ =	shalt  }
0x5d: {  	_ =	shalt  }
0x5e: {  	_ =	shalt  }
0x5f: {  	_ =	shalt  }
0x60: {  	_ =	shalt  }
0x61: {  	_ =	shalt  }
0x62: {  	_ =	shalt  }
0x63: {  	_ =	shalt  }
0x64: {  	_ =	shalt  }
0x65: {  	_ =	shalt  }
0x66: {  	_ =	shalt  }
0x67: {  	_ =	shalt  }
0x68: {  	_ =	shalt  }
0x69: {  	_ =	shalt  }
0x6a: {  	_ =	shalt  }
0x6b: {  	_ =	shalt  }
0x6c: {  	_ =	shalt  }
0x6d: {  	_ =	shalt  }
0x6e: {  	_ =	shalt  }
0x6f: {  	_ =	shalt  }
0x70: {  	_ =	shalt  }
0x71: {  	_ =	shalt  }
0x72: {  	_ =	shalt  }
0x73: {  	_ =	shalt  }
0x74: {  	_ =	shalt  }
0x75: {  	_ =	shalt  }
0x76: {  	_ =	shalt  }
0x77: {  	_ =	shalt  }
0x78: {  	_ =	shalt  }
0x79: {  	_ =	shalt  }
0x7a: {  	_ =	shalt  }
0x7b: {  	_ =	shalt  }
0x7c: {  	_ =	shalt  }
0x7d: {  	_ =	shalt  }
0x7e: {  	_ =	shalt  }
0x7f: {  	_ =	shalt  }
0x80: {  	_ =	shalt  }
0x81: {  	_ =	shalt  }
0x82: {  	_ =	shalt  }
0x83: {  	_ =	shalt  }
0x84: {  	_ =	shalt  }
0x85: {  	_ =	shalt  }
0x86: {  	_ =	shalt  }
0x87: {  	_ =	shalt  }
.Lfunc_end0:
.L_simem_size_0:
called_computation_lowered:
.L_overlay_start_0:
0x88: {  	s2 =	sld [smem:$0x3FD9]  }
0x89: {  	s3 =	sld [smem:$0x3FFE];
	_ =	sdelay $0x1  }
0x8a: {  	s1 =	srdreg.scid  }
0x8b: {  	s0 =	sand.u32 $0x1, s1  }
0x8c: {  	s17 =	sshll.u32 s0, $0xA;
	s2 =	sadd.s32 s3, s2  }
0x8d: {  	s2 =	sadd.s32 s2, s17  }
0x8e: {  	[smem:$0x3FBA] =	sst s2  }
0x8f: {  	_ = 	snop  }
0x90: {  	s2 =	sld [smem:$0x3FC4]  }
0x91: {  	s18 =	sld [smem:$0x3FD0];
	(tm) =	ssettm $0x1  }
0x92: {  	s4 =	sld [smem:$0x3FFB];
	_ =	sdelay $0x3  }
0x93: {  	_ =	strace s4  }
0x94: {  	s4 =	sld [smem:$0x3FFC];
	_ =	sdelay $0x3  }
0x95: {  	_ =	strace s4  }
0x96: {  	s4 =	sld [smem:$0x3FFD];
	_ =	sdelay $0x3  }
0x97: {  	_ =	strace s4  }
0x98: {  	_ =	strace $0x8FFFFFFF  }
0x99: {  	s19 =	sld [smem:$0x3FDB];
	_ =	sdelay $0x1  }
0x9a: {  	s5 =	simm.s32 $_scs_section_size  }
0x9b: {  	s6 =	simm.s32 $_size__tile_overlayer_lowered;
	s7 =	simm.s32 $_tile_overlayer_lowered  }
0x9c: {  	s22 =	simm.s32 $0x1BFF;
	s21 =	sshll.u32 s7, $0x1;
	s4 =	sadd.s32 s5, s19  }
0x9d: {  	s8 =	simm.s32 $0x0;
	s20 =	sshll.u32 s6, $0x1;
	s6 =	sadd.s32 s21, s4  }
0x9e: {  	[timem:s8], [sflag:s22] =	dma.local [hbm:s6], s20  }
0x9f: {  	_ =	swait.ge [sflag:s22], s20  }
0xa0: {  	s5 =	ssub.s32 $0x0, s20;
	[sflag:s22] =	ssyncset.done $0x0  }
0xa1: {  	[sflag:s22] =	ssyncadd.s32 s5;
	_ =	sdelay $0x1  }
0xa2: {  	s23 =	simm.s32 $0x1B8B  }
0xa3: {  	_ =	swait.ge [sflag:s23], $0x1  }
0xa4: {  	[sflag:s23] =	ssyncset.done $0x0  }
0xa5: {  	s25 =	simm.s32 $0x1B8E;
	s24 =	sld [smem:$0x3FFE];
	[sflag:s23] =	ssyncadd.s32 $0xFFFFFFFF  }
0xa6: {  	s26 =	simm.s32 $execute0_lowered;
	[smem:$0x3FD2] =	sst s25  }
0xa7: {  	s6 =	sshll.u32 s26, $0x1;
	_ =	strace $0x80000046;
	[dreg:$0x1] =	wrdreg $0xFFFFFFFF  }
0xa8: {  	s28 =	simm.s32 $_size_execute0_lowered;
	s4 =	sadd.s32 s4, s6;
	[dreg:$0x0] =	wrdreg $0x0  }
0xa9: {  	s6 =	sshll.u32 s28, $0x1;
	[dreg:$0x2] =	wrdreg s4  }
0xaa: {  	[dreg:$0x3] =	wrdreg s6  }
0xab: {  	[dreg:$0x4] =	wrdreg $0xC0  }
0xac: {  	_ =	task [dreg:s8], $0x5FFFF  }
0xad: {  	[dreg:$0x1] =	wrdreg $0xFFFFFFFF  }
0xae: {  	[dreg:$0x0] =	wrdreg $0x60  }
0xaf: {  	[dreg:$0x2] =	wrdreg s18  }
0xb0: {  	[dreg:$0x3] =	wrdreg s24  }
0xb1: {  	[dreg:$0x4] =	wrdreg s2  }
0xb2: {  	[dreg:$0x5] =	wrdreg $0x81800  }
0xb3: {  	[dreg:$0x6] =	wrdreg $0x84A00  }
0xb4: {  	[dreg:$0x7] =	wrdreg $0x9  }
0xb5: {  	_ =	task.clear_ibuf [dreg:s8], $0x8FFFF;
	_ =	strace $0x90000046  }
0xb6: {  	s29 =	simm.s32 $0x9;
	_ =	strace $0x80000048  }
0xb7: {  	_ =	swait.ge [sflag:s29], $0x1  }
0xb8: {  	[sflag:s29] =	ssyncadd.s32 $0xFFFFFFFF  }
0xb9: {  	_ =	strace $0x90000048  }
0xba: {  	_ =	sfence  }
0xbb: {  	s30 =	sld [smem:$0x0];
	_ =	sdelay $0x2  }
0xbc: {  	s31 =	sshll.u32 s1, $0xD;
	s1 =	sshrl.u32 s1, $0x2  }
0xbd: {  	s3 =	sand.u32 $0x4000, s31;
	s1 =	sadd.s32 s1, s30  }
0xbe: {  	s0 =	sor.u32 s3, s0;
	s1 =	sshll.u32 s1, $0x11  }
0xbf: {  	s0 =	sor.u32 s1, s0  }
0xc0: {  	s0 =	sadd.s32 $0x8F2B, s0  }
0xc1: {  	[sflag:s0] =	ssyncadd.remote.s32 $0x1  }
0xc2: {  	_ =	sfence.sel $0xFFFF  }
0xc3: {  	[dreg:$0x0] =	wrdreg $0xFFFFFFFF;
	(pc) =	sbr.abs _section_cstart, $3  }
0xc4: {  	[dreg:$0x1] =	wrdreg $0xFFFFFFFF  }
0xc5: {  	_ =	task.clear_ibuf [dreg:s8], $0x2FFFF;
	_ =	strace $0x9FFFFFFF  }
0xc6: {  	(tm) =	ssettm $0x7FFFFFFF  }
0xc7: {  	_ =	shalt  }
tec
execute0_lowered:
.L_overlay_start_1:
0x0: {  	(tag) =	ssettag $0x1  }
0x1: {  	s1 =	rddreg [dreg:$0x0]  }
0x2: {  	s0 =	rddreg [dreg:$0x1]  }
0x3: {  	s3 =	rddreg [dreg:$0x3]  }
0x4: {  	s4 =	rddreg [dreg:$0x4];
	s5 =	simm.s32 $0x0;
	s2 =	srdreg.scid  }
0x5: {  	s21 =	stileid.u32;
	s28 =	simm.s32 $0x2;
	s29 =	simm.s32 $0x0  }
0x6: {  	s30 =	simm.s32 $0x0;
	[smem:$0x7FF] =	sst s5;
	s2 =	sand.u32 $0x1, s2  }
0x7: {  	s6 =	sadd.s32 $0xC800, s0;
	s10 =	smul.u32 $0x50000, s21;
	s7 =	sadd.s32 $0x2A00, s0  }
0x8: {  	s14 =	smul.u32 $0x14000, s21;
	s8 =	sadd.s32 $0x16600, s0;
	s0 =	sadd.s32 $0x20400, s0  }
0x9: {  	p0 =	sne.s32 s21, $0x0;
	_ =	strace $0x80000047;
	s9 =	ssub.s32 $0x2, s2  }
0xa: {  	s22 =	smul.u32 $0x140000, s2;
	s2 =	sshll.u32 s2, $0x4;
	s11 =	sshrl.u32 s9, $0x1  }
0xb: {  	s23 =	sshrl.u32 s10, $0x2;
	s15 =	sadd.s32 $0x4000, s14;
	s17 =	sadd.s32 $0x8000, s14  }
0xc: {  	s18 =	sadd.s32 $0xC000, s14;
	s19 =	sadd.s32 $0x10000, s14;
	s2 =	sor.u32 s21, s2  }
0xd: {  	s21 =	simm.s32 $0x180;
	s20 =	ssub.s32 s9, s11;
	s9 =	sadd.s32 s23, s4  }
0xe: {  	s10 =	sadd.s32 s15, s4;
	s11 =	sadd.s32 s17, s4;
	s12 =	sadd.s32 s18, s4  }
0xf: {  	s13 =	sadd.s32 s19, s4;
	s16 =	sadd.s32 s14, s22;
	s15 =	sadd.s32 s22, s15  }
0x10: {  	s14 =	smul.u32 $0x4F, s2;
	s26 =	sadd.s32 s22, s17;
	s18 =	sadd.s32 s22, s18  }
0x11: {  	s19 =	sadd.s32 s22, s19;
	s22 =	simm.s32 $0x3;
	s23 =	simm.s32 $0x80  }
0x12: {  	s24 =	sshrl.u32 s16, $0x3;
	s25 =	sshrl.u32 s15, $0x3;
	s31 =	sshrl.u32 s18, $0x3  }
0x13: {  	s19 =	sshrl.u32 s19, $0x3;
	s20 =	smax.u32 s20, $0x1;
	s2 =	sadd.s32 s0, s24  }
0x14: {  	s16 =	sadd.s32 s0, s25;
	s18 =	sadd.s32 s0, s31;
	s19 =	sadd.s32 s0, s19  }
0x15: {  	s24 =	simm.s32 $0x100;
	[dreg:$0x6] =	wrdreg s2;
	s2 =	sshrl.u32 s26, $0x3  }
0x16: {  	v0 =	vimm.f32 $0.0e+00;
	s25 =	simm.s32 $0x4180;
	s26 =	simm.s32 $0x1;
	s17 =	sadd.s32 s0, s2  }
.LBB2_1:
0x17: {  	s0 =	simm.s32 @!p0 $0x0;
	s2 =	simm.s32 @!p0 $0x180;
	s15 =	rddreg [dreg:$0x2]  }
0x18: {  	[tilespmem:s2], [sflag:$0x3] =	stream.linear.gather @!p0 [hbm4b:s15+s0], $0x3200, $0x38;
	[tilespmem:$0x1C4A0] =	vst v63  }
0x19: {  	s0 =	simm.s32 @!p0 $0x3  }
0x1a: {  	_ =	swait.ge @!p0 [sflag:s0], $0x3200  }
0x1b: {  	[sflag:s0] =	ssyncset.done @!p0 $0x0  }
0x1c: {  	[sflag:s0] =	ssyncadd.s32 @!p0 $0xFFFFCE00  }
0x1d: {  	[spmem:s3] =	stream.linear.scatter @!p0 [tilespmem:s2], [sflag:$0x3], $0x3200, $0x38;
	[tilespmem:$0x1C4A0] =	vst v63  }
0x1e: {  	_ =	swait.ge @!p0 [sflag:s0], $0x3200  }
0x1f: {  	[sflag:s0] =	ssyncset.done @!p0 $0x0  }
0x20: {  	s2 =	simm.s32 $0x200;
	[sflag:s0] =	ssyncadd.s32 @!p0 $0xFFFFCE00;
	s0 =	simm.s32 $0x0  }
.LBB2_2:
0x21: {  	p1 =	sne.s32 s2, $0xFE00;
	[tilespmem:s0+$0x1F0] =	vst v0  }
0x22: {  	[tilespmem:s0+$0x180] =	vst v0  }
0x23: {  	[tilespmem:s0+$0x190] =	vst v0  }
.Ltmp0:
0x24: {  	[tilespmem:s0+$0x1A0] =	vst v0;
	(pc) =	sbr.rel @p1 .LBB2_2-.Ltmp0, $4  }
0x25: {  	[tilespmem:s0+$0x1B0] =	vst v0  }
0x26: {  	[tilespmem:s0+$0x1C0] =	vst v0  }
0x27: {  	[tilespmem:s0+$0x1D0] =	vst v0  }
0x28: {  	[tilespmem:s0+$0x1E0] =	vst v0;
	s0 =	sshra.s32 s2, $0x2;
	s2 =	sadd.s32 $0x200, s2  }
0x29: {  	[tilespmem:s0+$0x1F0] =	vst v0  }
0x2a: {  	[tilespmem:s0+$0x180] =	vst v0  }
0x2b: {  	[tilespmem:s0+$0x190] =	vst v0  }
0x2c: {  	[tilespmem:s0+$0x1A0] =	vst v0  }
0x2d: {  	[tilespmem:s0+$0x1B0] =	vst v0  }
0x2e: {  	[tilespmem:s0+$0x1C0] =	vst v0  }
0x2f: {  	[tilespmem:s0+$0x1D0] =	vst v0  }
0x30: {  	[tilespmem:s0+$0x1E0] =	vst v0  }
0x31: {  	[spmem:s9] =	stream.linear.scatter [tilespmem:s21], [sflag:$0x3], $0x4000, $0x38;
	[tilespmem:$0x1C4A0] =	vst v63  }
0x32: {  	_ =	swait.ge [sflag:s22], $0x4000  }
0x33: {  	[sflag:s22] =	ssyncset.done $0x0  }
0x34: {  	[sflag:s22] =	ssyncadd.s32 $0xFFFFC000  }
0x35: {  	[spmem:s10] =	stream.linear.scatter [tilespmem:s21], [sflag:$0x3], $0x4000, $0x38;
	[tilespmem:$0x1C4A0] =	vst v63  }
0x36: {  	_ =	swait.ge [sflag:s22], $0x4000  }
0x37: {  	[sflag:s22] =	ssyncset.done $0x0  }
0x38: {  	[sflag:s22] =	ssyncadd.s32 $0xFFFFC000  }
0x39: {  	[spmem:s11] =	stream.linear.scatter [tilespmem:s21], [sflag:$0x3], $0x4000, $0x38;
	[tilespmem:$0x1C4A0] =	vst v63  }
0x3a: {  	_ =	swait.ge [sflag:s22], $0x4000  }
0x3b: {  	[sflag:s22] =	ssyncset.done $0x0  }
0x3c: {  	[sflag:s22] =	ssyncadd.s32 $0xFFFFC000  }
0x3d: {  	[spmem:s12] =	stream.linear.scatter [tilespmem:s21], [sflag:$0x3], $0x4000, $0x38;
	[tilespmem:$0x1C4A0] =	vst v63  }
0x3e: {  	_ =	swait.ge [sflag:s22], $0x4000  }
0x3f: {  	[sflag:s22] =	ssyncset.done $0x0  }
0x40: {  	[sflag:s22] =	ssyncadd.s32 $0xFFFFC000  }
0x41: {  	[spmem:s13] =	stream.linear.scatter [tilespmem:s21], [sflag:$0x3], $0x4000, $0x38;
	[tilespmem:$0x1C4A0] =	vst v63  }
0x42: {  	_ =	swait.ge [sflag:s22], $0x4000  }
0x43: {  	[sflag:s22] =	ssyncset.done $0x0  }
0x44: {  	[sflag:s22] =	ssyncadd.s32 $0xFFFFC000  }
0x45: {  	s31 =	simm.s32 $0x0;
	[bflag:$0x0] =	sbarrier.arrive $0xFFFF  }
.LBB2_4:
0x46: {  	s0 =	sadd.s32 s14, s31  }
0x47: {  	s0 =	sshll.u32 s0, $0x4  }
0x48: {  	s2 =	sadd.s32 s6, s0  }
0x49: {  	[tilespmem:s30], [sflag:$0x3] =	stream.linear.gather [hbm4b:s2+s30], $0x80, $0x38;
	[tilespmem:$0x1C4A0] =	vst v63  }
0x4a: {  	_ =	swait.ge [sflag:s22], $0x80  }
0x4b: {  	[sflag:s22] =	ssyncset.done $0x0  }
0x4c: {  	s15 =	sadd.s32 s8, s0;
	[sflag:s22] =	ssyncadd.s32 $0xFFFFFF80  }
0x4d: {  	[tilespmem:s23], [sflag:$0x3] =	stream.linear.gather [hbm4b:s15+s30], $0x80, $0x38;
	[tilespmem:$0x1C4A0] =	vst v63  }
0x4e: {  	_ =	swait.ge [sflag:s22], $0x80  }
0x4f: {  	[sflag:s22] =	ssyncset.done $0x0  }
0x50: {  	s0 =	sadd.s32 s7, s0;
	[sflag:s22] =	ssyncadd.s32 $0xFFFFFF80  }
0x51: {  	[tilespmem:s24], [sflag:$0x3] =	stream.linear.gather [hbm4b:s0+s30], $0x80, $0x38;
	[tilespmem:$0x1C4A0] =	vst v63  }
0x52: {  	_ =	swait.ge [sflag:s22], $0x80  }
0x53: {  	[sflag:s22] =	ssyncset.done $0x0  }
0x54: {  	[sflag:s22] =	ssyncadd.s32 $0xFFFFFF80  }
0x55: {  	[tilespmem:s21], [sflag:$0x1] =	stream.indirect.gather [hbm4b:s1+s23], $0x80, s30, s23, $0xb8;
	[tilespmem:$0x1C4A0] =	vst v63  }
0x56: {  	_ = 	snop  }
0x57: {  	[tilespmem:s25], [sflag:$0x2] =	stream.indirect.gather [spmem:s3], $0x80, s23, s23, $0xb8;
	[tilespmem:$0x1C4A0] =	vst v63  }
0x58: {  	_ =	swait.ge [sflag:s26], $0x4000  }
0x59: {  	[sflag:s26] =	ssyncset.done $0x0  }
0x5a: {  	[sflag:s26] =	ssyncadd.s32 $0xFFFFC000  }
0x5b: {  	_ =	swait.ge [sflag:s28], $0x4000  }
0x5c: {  	[sflag:s28] =	ssyncset.done $0x0  }
0x5d: {  	s0 =	simm.s32 $0x0;
	[sflag:s28] =	ssyncadd.s32 $0xFFFFC000  }
0x5e: {  	v7 =	vld [tilespmem:s0+$0x4180]  }
0x5f: {  	v12 =	vld [tilespmem:s0+$0x4190]  }
0x60: {  	v6 =	vld [tilespmem:s0+$0x41A0]  }
0x61: {  	v5 =	vld [tilespmem:s0+$0x41B0]  }
0x62: {  	v4 =	vld [tilespmem:s0+$0x41C0]  }
0x63: {  	v3 =	vld [tilespmem:s0+$0x41D0]  }
0x64: {  	v2 =	vld [tilespmem:s0+$0x41E0]  }
0x65: {  	v1 =	vld [tilespmem:s0+$0x41F0]  }
0x66: {  	v13 =	vld [tilespmem:s0+$0x180]  }
0x67: {  	v14 =	vld [tilespmem:s0+$0x190]  }
0x68: {  	v11 =	vld [tilespmem:s0+$0x1A0]  }
0x69: {  	v10 =	vld [tilespmem:s0+$0x1B0]  }
0x6a: {  	v9 =	vld [tilespmem:s0+$0x1C0]  }
0x6b: {  	v8 =	vld [tilespmem:s0+$0x1D0];
	v13 =	vadd.f32 v7, v13  }
0x6c: {  	s2 =	simm.s32 $0x200;
	v12 =	vadd.f32 v12, v14;
	v7 =	vld [tilespmem:s0+$0x1E0]  }
.LBB2_5:
0x6d: {  	s15 =	sshra.s32 s2, $0x2;
	p1 =	sne.s32 s2, $0xFE00;
	v13 =	vmax.f32 v13, $0.0e+00;
	v6 =	vadd.f32 v6, v11;
	v11 =	vld [tilespmem:s0+$0x1F0]  }
0x6e: {  	v14 =	vld [tilespmem:s15+$0x4180];
	[tilespmem:s0+$0x180] =	vst v13;
	v12 =	vmax.f32 v12, $0.0e+00;
	v5 =	vadd.f32 v5, v10  }
0x6f: {  	v15 =	vld [tilespmem:s15+$0x4190];
	[tilespmem:s0+$0x190] =	vst v12;
	v10 =	vmax.f32 v6, $0.0e+00;
	v4 =	vadd.f32 v4, v9  }
0x70: {  	v6 =	vld [tilespmem:s15+$0x41A0];
	[tilespmem:s0+$0x1A0] =	vst v10;
	v9 =	vmax.f32 v5, $0.0e+00;
	v3 =	vadd.f32 v3, v8  }
0x71: {  	v5 =	vld [tilespmem:s15+$0x41B0];
	[tilespmem:s0+$0x1B0] =	vst v9;
	v8 =	vmax.f32 v4, $0.0e+00;
	v2 =	vadd.f32 v2, v7  }
0x72: {  	v4 =	vld [tilespmem:s15+$0x41C0];
	[tilespmem:s0+$0x1C0] =	vst v8;
	v7 =	vmax.f32 v3, $0.0e+00;
	v1 =	vadd.f32 v1, v11  }
0x73: {  	v3 =	vld [tilespmem:s15+$0x41D0];
	[tilespmem:s0+$0x1D0] =	vst v7;
	v7 =	vmax.f32 v2, $0.0e+00  }
0x74: {  	v2 =	vld [tilespmem:s15+$0x41E0];
	[tilespmem:s0+$0x1E0] =	vst v7;
	v7 =	vmax.f32 v1, $0.0e+00  }
0x75: {  	v1 =	vld [tilespmem:s15+$0x41F0];
	[tilespmem:s0+$0x1F0] =	vst v7;
	s0 =	smov.u32 s15  }
0x76: {  	v7 =	vld [tilespmem:s0+$0x180]  }
0x77: {  	v12 =	vld [tilespmem:s0+$0x190]  }
.Ltmp1:
0x78: {  	v11 =	vld [tilespmem:s0+$0x1A0];
	(pc) =	sbr.rel @p1 .LBB2_5-.Ltmp1, $4  }
0x79: {  	v10 =	vld [tilespmem:s0+$0x1B0]  }
0x7a: {  	v9 =	vld [tilespmem:s0+$0x1C0]  }
0x7b: {  	v13 =	vadd.f32 v14, v7;
	v8 =	vld [tilespmem:s0+$0x1D0]  }
0x7c: {  	s2 =	sadd.s32 $0x200, s2;
	v12 =	vadd.f32 v15, v12;
	v7 =	vld [tilespmem:s0+$0x1E0]  }
0x7d: {  	v13 =	vmax.f32 v13, $0.0e+00;
	v6 =	vadd.f32 v6, v11;
	v63 =	vld [tilespmem:s0+$0x1F0]  }
0x7e: {  	[tilespmem:s0+$0x180] =	vst v13;
	v12 =	vmax.f32 v12, $0.0e+00;
	v5 =	vadd.f32 v5, v10  }
0x7f: {  	[tilespmem:s0+$0x190] =	vst v12;
	v6 =	vmax.f32 v6, $0.0e+00;
	v4 =	vadd.f32 v4, v9  }
0x80: {  	[tilespmem:s0+$0x1A0] =	vst v6;
	v5 =	vmax.f32 v5, $0.0e+00;
	v3 =	vadd.f32 v3, v8  }
0x81: {  	[tilespmem:s0+$0x1B0] =	vst v5;
	v4 =	vmax.f32 v4, $0.0e+00;
	v2 =	vadd.f32 v2, v7  }
0x82: {  	[tilespmem:s0+$0x1C0] =	vst v4;
	v3 =	vmax.f32 v3, $0.0e+00;
	v1 =	vadd.f32 v1, v63  }
0x83: {  	s31 =	sadd.s32 $0x1, s31;
	[tilespmem:s0+$0x1D0] =	vst v3;
	v2 =	vmax.f32 v2, $0.0e+00  }
0x84: {  	p1 =	sne.s32 s31, $0x4F;
	[tilespmem:s0+$0x1E0] =	vst v2;
	v1 =	vmax.f32 v1, $0.0e+00  }
.Ltmp2:
0x85: {  	[tilespmem:s0+$0x1F0] =	vst v1;
	(pc) =	sbr.rel @p1 .LBB2_4-.Ltmp2, $4  }
0x86: {  	[spmem:s4] =	stream.indirect.scatter.add.f32 [tilespmem:s21], [sflag:$0x3], $0x80, s24, s23, $0xb8;
	[tilespmem:$0x1C4A0] =	vst v63  }
0x87: {  	_ =	swait.ge [sflag:s22], $0x4000  }
0x88: {  	[sflag:s22] =	ssyncset.done $0x0  }
0x89: {  	[sflag:s22] =	ssyncadd.s32 $0xFFFFC000  }
0x8a: {  	[bflag:$0x0] =	sbarrier.arrive $0xFFFF  }
0x8b: {  	[tilespmem:s21], [sflag:$0x3] =	stream.linear.gather [spmem:s9], $0x4000, $0x38;
	[tilespmem:$0x1C4A0] =	vst v63  }
0x8c: {  	_ =	swait.ge [sflag:s22], $0x4000  }
0x8d: {  	[sflag:s22] =	ssyncset.done $0x0  }
0x8e: {  	s0 =	rddreg [dreg:$0x6];
	[sflag:s22] =	ssyncadd.s32 $0xFFFFC000  }
0x8f: {  	[hbm4b:s0+s5] =	stream.linear.scatter [tilespmem:s21], [sflag:$0x3], $0x4000, $0x38;
	[tilespmem:$0x1C4A0] =	vst v63  }
0x90: {  	_ =	swait.ge [sflag:s22], $0x4000  }
0x91: {  	[sflag:s22] =	ssyncset.done $0x0  }
0x92: {  	[sflag:s22] =	ssyncadd.s32 $0xFFFFC000  }
0x93: {  	[tilespmem:s21], [sflag:$0x3] =	stream.linear.gather [spmem:s10], $0x4000, $0x38;
	[tilespmem:$0x1C4A0] =	vst v63  }
0x94: {  	_ =	swait.ge [sflag:s22], $0x4000  }
0x95: {  	[sflag:s22] =	ssyncset.done $0x0  }
0x96: {  	[sflag:s22] =	ssyncadd.s32 $0xFFFFC000  }
0x97: {  	[hbm4b:s16+s5] =	stream.linear.scatter [tilespmem:s21], [sflag:$0x3], $0x4000, $0x38;
	[tilespmem:$0x1C4A0] =	vst v63  }
0x98: {  	_ =	swait.ge [sflag:s22], $0x4000  }
0x99: {  	[sflag:s22] =	ssyncset.done $0x0  }
0x9a: {  	[sflag:s22] =	ssyncadd.s32 $0xFFFFC000  }
0x9b: {  	[tilespmem:s21], [sflag:$0x3] =	stream.linear.gather [spmem:s11], $0x4000, $0x38;
	[tilespmem:$0x1C4A0] =	vst v63  }
0x9c: {  	_ =	swait.ge [sflag:s22], $0x4000  }
0x9d: {  	[sflag:s22] =	ssyncset.done $0x0  }
0x9e: {  	[sflag:s22] =	ssyncadd.s32 $0xFFFFC000  }
0x9f: {  	[hbm4b:s17+s5] =	stream.linear.scatter [tilespmem:s21], [sflag:$0x3], $0x4000, $0x38;
	[tilespmem:$0x1C4A0] =	vst v63  }
0xa0: {  	_ =	swait.ge [sflag:s22], $0x4000  }
0xa1: {  	[sflag:s22] =	ssyncset.done $0x0  }
0xa2: {  	[sflag:s22] =	ssyncadd.s32 $0xFFFFC000  }
0xa3: {  	[tilespmem:s21], [sflag:$0x3] =	stream.linear.gather [spmem:s12], $0x4000, $0x38;
	[tilespmem:$0x1C4A0] =	vst v63  }
0xa4: {  	_ =	swait.ge [sflag:s22], $0x4000  }
0xa5: {  	[sflag:s22] =	ssyncset.done $0x0  }
0xa6: {  	[sflag:s22] =	ssyncadd.s32 $0xFFFFC000  }
0xa7: {  	[hbm4b:s18+s5] =	stream.linear.scatter [tilespmem:s21], [sflag:$0x3], $0x4000, $0x38;
	[tilespmem:$0x1C4A0] =	vst v63  }
0xa8: {  	_ =	swait.ge [sflag:s22], $0x4000  }
0xa9: {  	[sflag:s22] =	ssyncset.done $0x0  }
0xaa: {  	[sflag:s22] =	ssyncadd.s32 $0xFFFFC000  }
0xab: {  	[tilespmem:s21], [sflag:$0x3] =	stream.linear.gather [spmem:s13], $0x4000, $0x38;
	[tilespmem:$0x1C4A0] =	vst v63  }
0xac: {  	s29 =	sadd.s32 $0x1, s29;
	_ =	swait.ge [sflag:s22], $0x4000  }
0xad: {  	p1 =	sne.s32 s29, s20;
	[sflag:s22] =	ssyncset.done $0x0  }
.Ltmp3:
0xae: {  	[sflag:s22] =	ssyncadd.s32 $0xFFFFC000;
	(pc) =	sbr.rel @p1 .LBB2_1-.Ltmp3, $4  }
0xaf: {  	[hbm4b:s19+s5] =	stream.linear.scatter [tilespmem:s21], [sflag:$0x3], $0x4000, $0x38;
	[tilespmem:$0x1C4A0] =	vst v63  }
0xb0: {  	_ =	swait.ge [sflag:s22], $0x4000  }
0xb1: {  	[sflag:s22] =	ssyncset.done $0x0  }
0xb2: {  	[sflag:s22] =	ssyncadd.s32 $0xFFFFC000  }
0xb3: {  	_ =	sfence.sel $0x180000  }
0xb4: {  	[bflag:$0x0] =	sbarrier.arrive $0xFFFF  }
0xb5: {  	_ =	strace $0x90000047  }
0xb6: {  	[bflag:$0x2] =	sbarrier.arrive $0xFFFF  }
0xb7: {  	s0 =	rddreg [dreg:$0x5]  }
0xb8: {  	s0 =	sadd.s32 @!p0 $0x100000, s0  }
0xb9: {  	[sflag:s0] =	ssyncadd.tile.s32 @!p0 $0x1;
	_ =	shalt  }
.Lfunc_end2:
_tile_overlayer_lowered:
.L_overlay_start_2:
0xba: {  	(tag) =	ssettag $0x2  }
0xbb: {  	s0 =	rddreg [dreg:$0x0];
	s2 =	stileid.u32  }
0xbc: {  	s1 =	rddreg [dreg:$0x1];
	p0 =	sne.s32 s2, $0x0  }
0xbd: {  	s3 =	rddreg [dreg:$0x2];
	[bflag:$0x3] =	sbarrier.arrive $0xFFFF;
	s2 =	simm.s32 @!p0 $0x1C03  }
0xbe: {  	[timem:s3], [sflag:s2] =	dma.local @!p0 [hbm:s0], s1  }
0xbf: {  	s0 =	simm.s32 @!p0 $0x3  }
0xc0: {  	_ =	swait.ge @!p0 [sflag:s0], s1  }
0xc1: {  	s1 =	ssub.s32 @!p0 $0x0, s1;
	[sflag:s0] =	ssyncset.done @!p0 $0x0  }
0xc2: {  	[sflag:s0] =	ssyncadd.s32 @!p0 s1  }
0xc3: {  	[bflag:$0x3] =	sbarrier.arrive $0xFFFF  }
0xc4: {  	_ =	shalt  }

</sc_bundles>
